<compile_context>
chip_gen: v7x
topology: tpu7x:2x2x1
jax: 0.10.2.dev20260603
libtpu: 0.0.44.dev20260713+nightly
codegen_flags: <defaults>
</compile_context>

<pallas_src>
import functools

import jax
import jax.numpy as jnp
from jax import lax
from jax.experimental import pallas as pl
from jax.experimental.pallas import tpu as pltpu
from jax.experimental.pallas import tpu_sc as plsc

N_EDGES = 320000
EMB = 128
NLUT = 60


def _lut_body(w0_ref, w1_ref, w2_ref, lut_ref):
    r0 = lax.broadcasted_iota(jnp.int32, (NLUT, 5), 0)
    c0 = lax.broadcasted_iota(jnp.int32, (NLUT, 5), 1)
    oh0 = (r0 // 12 == c0).astype(jnp.float32)
    r1 = lax.broadcasted_iota(jnp.int32, (NLUT, 6), 0)
    c1 = lax.broadcasted_iota(jnp.int32, (NLUT, 6), 1)
    oh1 = ((r1 // 2) % 6 == c1).astype(jnp.float32)
    r2 = lax.broadcasted_iota(jnp.int32, (NLUT, 2), 0)
    c2 = lax.broadcasted_iota(jnp.int32, (NLUT, 2), 1)
    oh2 = (r2 % 2 == c2).astype(jnp.float32)
    lut_ref[...] = (
        jnp.dot(oh0, w0_ref[...], preferred_element_type=jnp.float32)
        + jnp.dot(oh1, w1_ref[...], preferred_element_type=jnp.float32)
        + jnp.dot(oh2, w2_ref[...], preferred_element_type=jnp.float32)
    )


_lut_call = pl.pallas_call(
    _lut_body,
    out_shape=jax.ShapeDtypeStruct((NLUT, EMB), jnp.float32),
)

NW = 32
ROWS_PER_W = N_EDGES // NW
SLAB = 200
NSLAB = ROWS_PER_W // SLAB
SLAB_W = SLAB * EMB


@functools.cache
def _get_sc_gather():
    @functools.partial(
        pl.kernel,
        out_type=jax.ShapeDtypeStruct((N_EDGES * EMB,), jnp.float32),
        mesh=plsc.VectorSubcoreMesh(core_axis_name="c", subcore_axis_name="s"),
        compiler_params=pltpu.CompilerParams(needs_layout_passes=False),
        scratch_types=[
            pltpu.VMEM_SHARED((16 * ROWS_PER_W,), jnp.int32),
            [pltpu.VMEM((ROWS_PER_W,), jnp.int32)] * 3,
            pltpu.VMEM((ROWS_PER_W,), jnp.int32),
            pltpu.VMEM((NLUT * EMB,), jnp.float32),
            pltpu.VMEM((SLAB_W,), jnp.float32),
            pltpu.VMEM((SLAB_W,), jnp.float32),
            [pltpu.SMEM((SLAB,), jnp.int32)] * 2,
            [pltpu.SemaphoreType.DMA] * 2,
            pltpu.SemaphoreType.DMA,
            pltpu.SemaphoreType.DMA,
        ],
    )
    def _sc_gather(
        a0_hbm, a1_hbm, a2_hbm, lut_hbm, out_hbm,
        cidx_sh, a_t, cidx_t, lut_v, buf0, buf1, sms, ssems, o0, o1,
    ):
        cid = lax.axis_index("c")
        sid = lax.axis_index("s")
        wid = sid * 2 + cid
        out_base = wid * ROWS_PER_W * EMB
        sh_base = sid * ROWS_PER_W
        for k, a_hbm in enumerate((a0_hbm, a1_hbm, a2_hbm)):
            pltpu.sync_copy(
                a_hbm.at[pl.ds(wid * ROWS_PER_W, ROWS_PER_W)], a_t[k]
            )

        def fold(j, carry):
            v0 = a_t[0][pl.ds(j * 16, 16)]
            v1 = a_t[1][pl.ds(j * 16, 16)]
            v2 = a_t[2][pl.ds(j * 16, 16)]
            cidx_t[pl.ds(j * 16, 16)] = (v0 * 12 + v1 * 2 + v2) * EMB
            return carry

        lax.fori_loop(0, ROWS_PER_W // 16, fold, 0)
        pltpu.sync_copy(cidx_t, cidx_sh.at[pl.ds(sh_base, ROWS_PER_W)])
        pltpu.sync_copy(lut_hbm, lut_v)

        def issue_sm(s, k):
            pltpu.async_copy(
                cidx_sh.at[pl.ds(sh_base + s * SLAB, SLAB)], sms[k], ssems[k]
            )

        def wait_sm(s, k):
            pltpu.make_async_copy(
                cidx_sh.at[pl.ds(sh_base + s * SLAB, SLAB)], sms[k], ssems[k]
            ).wait()

        def fill(s, buf, k):
            wait_sm(s, k)

            @pl.when(s + 1 < NSLAB)
            def _():
                issue_sm(s + 1, 1 - k)

            sm = sms[k]

            @plsc.parallel_loop(0, SLAB, step=1, unroll=4)
            def edge(e):
                base = sm[e]
                ebase = e * EMB
                for d in range(EMB // 16):
                    buf[pl.ds(ebase + d * 16, 16)] = lut_v[
                        pl.ds(base + d * 16, 16)
                    ]

        def start_out(s, buf, sem):
            pltpu.async_copy(
                buf, out_hbm.at[pl.ds(out_base + s * SLAB_W, SLAB_W)], sem
            )

        def wait_out(s, buf, sem):
            pltpu.make_async_copy(
                buf, out_hbm.at[pl.ds(out_base + s * SLAB_W, SLAB_W)], sem
            ).wait()

        issue_sm(0, 0)
        fill(0, buf0, 0)
        start_out(0, buf0, o0)
        fill(1, buf1, 1)
        start_out(1, buf1, o1)

        def pair(p, carry):
            s0 = 2 * p + 2
            wait_out(s0 - 2, buf0, o0)
            fill(s0, buf0, 0)
            start_out(s0, buf0, o0)
            s1 = s0 + 1
            wait_out(s1 - 2, buf1, o1)
            fill(s1, buf1, 1)
            start_out(s1, buf1, o1)
            return carry

        lax.fori_loop(0, (NSLAB - 2) // 2, pair, 0)
        wait_out(NSLAB - 2, buf0, o0)
        wait_out(NSLAB - 1, buf1, o1)

    return _sc_gather


def kernel(edge_attr, W0, W1, W2):
    lut = _lut_call(W0, W1, W2)
    a0 = edge_attr[:, 0]
    a1 = edge_attr[:, 1]
    a2 = edge_attr[:, 2]
    out = _get_sc_gather()(a0, a1, a2, lut.reshape(-1))
    return out.reshape(N_EDGES, EMB)

# --- scband reference (transcript-rebuilt; emitter-appended) ---
"""Pipeline reference for scband-bond-encoder-4776003633207 (READ-ONLY COPY).

The authoritative reference and input builder live on the scoring server;
editing this copy changes nothing except your own understanding.
"""

import jax, jax.numpy as jnp
import numpy as np

E_FEAT_DIMS = [5, 6, 2]
EMB_DIM = 128
N_EDGES = 320000

def _xavier_uniform(key, shape):
    fan_in, fan_out = shape[0], shape[1]
    a = float(np.sqrt(6.0 / (fan_in + fan_out)))
    return jax.random.uniform(key, shape, dtype=jnp.float32, minval=-a, maxval=a)

def setup_inputs(seed: int = 0) -> dict:
    key = jax.random.key(seed)
    k_idx, k0, k1, k2 = jax.random.split(key, 4)
    edge_attr = jax.random.randint(k_idx, (N_EDGES, 3), 0, 2, dtype=jnp.int32)
    W0 = _xavier_uniform(k0, (E_FEAT_DIMS[0], EMB_DIM))
    W1 = _xavier_uniform(k1, (E_FEAT_DIMS[1], EMB_DIM))
    W2 = _xavier_uniform(k2, (E_FEAT_DIMS[2], EMB_DIM))
    return {"edge_attr": edge_attr, "W0": W0, "W1": W1, "W2": W2}

def reference(edge_attr, W0, W1, W2):
    # bond_embedding = sum_i Embedding_i(edge_attr[:, i])
    bond_embedding = jnp.take(W0, edge_attr[:, 0], axis=0)
    bond_embedding = bond_embedding + jnp.take(W1, edge_attr[:, 1], axis=0)
    bond_embedding = bond_embedding + jnp.take(W2, edge_attr[:, 2], axis=0)
    return bond_embedding

if __name__ == "__main__":
    import jax
    _d = setup_inputs()
    print(jax.jit(kernel)(*tuple(_d.values())))

</pallas_src>

<mosaic_0001>
#map = affine_map<(d0, d1) -> (0)>
module attributes {stable_mosaic.version = 14 : i64} {
  func.func @_sc_gather(%arg0: i32, %arg1: i32, %arg2: memref<320000xi32, #tpu.memory_space<hbm>>, %arg3: memref<320000xi32, #tpu.memory_space<hbm>>, %arg4: memref<320000xi32, #tpu.memory_space<hbm>>, %arg5: memref<7680xf32, #tpu.memory_space<hbm>>, %arg6: memref<40960000xf32, #tpu.memory_space<hbm>>, %arg7: memref<160000xi32, #tpu.memory_space<vmem_shared>>, %arg8: memref<10000xi32, #tpu.memory_space<vmem>>, %arg9: memref<10000xi32, #tpu.memory_space<vmem>>, %arg10: memref<10000xi32, #tpu.memory_space<vmem>>, %arg11: memref<10000xi32, #tpu.memory_space<vmem>>, %arg12: memref<7680xf32, #tpu.memory_space<vmem>>, %arg13: memref<25600xf32, #tpu.memory_space<vmem>>, %arg14: memref<25600xf32, #tpu.memory_space<vmem>>, %arg15: memref<200xi32, #tpu.memory_space<smem>>, %arg16: memref<200xi32, #tpu.memory_space<smem>>, %arg17: memref<!tpu.dma_semaphore, #tpu.memory_space<semaphore_mem>>, %arg18: memref<!tpu.dma_semaphore, #tpu.memory_space<semaphore_mem>>, %arg19: memref<!tpu.dma_semaphore, #tpu.memory_space<semaphore_mem>>, %arg20: memref<!tpu.dma_semaphore, #tpu.memory_space<semaphore_mem>>) attributes {dimension_semantics = [#tpu.dimension_semantics<core_parallel>, #tpu.dimension_semantics<subcore_parallel>], iteration_bounds = array<i64: 2, 16>, scalar_prefetch = 0 : i64, scratch_operands = 14 : i64, tpu.core_type = #tpu.core_type<sc_vector_subcore>, window_params = [{transform_indices = #map}, {transform_indices = #map}, {transform_indices = #map}, {transform_indices = #map}, {transform_indices = #map}]} {
    %mul3A = arith.constant 2 : i32
    %mul3A_0 = arith.muli %arg1, %mul3A : i32
    %add3A = arith.addi %mul3A_0, %arg0 : i32
    %mul3A_1 = arith.constant 10000 : i32
    %mul3A_2 = arith.muli %add3A, %mul3A_1 : i32
    %mul3A_3 = arith.constant 128 : i32
    %mul3A_4 = arith.muli %mul3A_2, %mul3A_3 : i32
    %mul3A_5 = arith.constant 10000 : i32
    %mul3A_6 = arith.muli %arg1, %mul3A_5 : i32
    %mul3A_7 = arith.constant 10000 : i32
    %mul3A_8 = arith.muli %add3A, %mul3A_7 : i32
    "tpu.region"() ({
      %run_scoped3A = tpu.sem_alloc : memref<!tpu.dma_semaphore, #tpu.memory_space<semaphore_mem>>
      %dma_start3A_58 = tpu.memref_slice %arg2[%mul3A_8] : memref<320000xi32, #tpu.memory_space<hbm>> -> memref<10000xi32, #tpu.memory_space<hbm>>
      %dma_start3A_59 = tpu.memref_slice %arg2[%mul3A_8] : memref<320000xi32, #tpu.memory_space<hbm>> -> memref<10000xi32, #tpu.memory_space<hbm>>
      tpu.enqueue_dma source(%dma_start3A_59 : memref<10000xi32, #tpu.memory_space<hbm>>) target(%arg8 : memref<10000xi32, #tpu.memory_space<vmem>>) target_semaphore(%run_scoped3A : memref<!tpu.dma_semaphore, #tpu.memory_space<semaphore_mem>>)
      %dma_wait3A_60 = tpu.memref_slice %arg2[%mul3A_8] : memref<320000xi32, #tpu.memory_space<hbm>> -> memref<10000xi32, #tpu.memory_space<hbm>>
      %dma_wait3A_61 = tpu.memref_slice %arg2[%mul3A_8] : memref<320000xi32, #tpu.memory_space<hbm>> -> memref<10000xi32, #tpu.memory_space<hbm>>
      tpu.wait_dma2 semaphore(%run_scoped3A : memref<!tpu.dma_semaphore, #tpu.memory_space<semaphore_mem>>) src(%dma_wait3A_61 : memref<10000xi32, #tpu.memory_space<hbm>>) dst(%arg8 : memref<10000xi32, #tpu.memory_space<vmem>>)
      tpu.yield
    }) : () -> ()
    %mul3A_9 = arith.constant 10000 : i32
    %mul3A_10 = arith.muli %add3A, %mul3A_9 : i32
    "tpu.region"() ({
      %run_scoped3A = tpu.sem_alloc : memref<!tpu.dma_semaphore, #tpu.memory_space<semaphore_mem>>
      %dma_start3A_58 = tpu.memref_slice %arg3[%mul3A_10] : memref<320000xi32, #tpu.memory_space<hbm>> -> memref<10000xi32, #tpu.memory_space<hbm>>
      %dma_start3A_59 = tpu.memref_slice %arg3[%mul3A_10] : memref<320000xi32, #tpu.memory_space<hbm>> -> memref<10000xi32, #tpu.memory_space<hbm>>
      tpu.enqueue_dma source(%dma_start3A_59 : memref<10000xi32, #tpu.memory_space<hbm>>) target(%arg9 : memref<10000xi32, #tpu.memory_space<vmem>>) target_semaphore(%run_scoped3A : memref<!tpu.dma_semaphore, #tpu.memory_space<semaphore_mem>>)
      %dma_wait3A_60 = tpu.memref_slice %arg3[%mul3A_10] : memref<320000xi32, #tpu.memory_space<hbm>> -> memref<10000xi32, #tpu.memory_space<hbm>>
      %dma_wait3A_61 = tpu.memref_slice %arg3[%mul3A_10] : memref<320000xi32, #tpu.memory_space<hbm>> -> memref<10000xi32, #tpu.memory_space<hbm>>
      tpu.wait_dma2 semaphore(%run_scoped3A : memref<!tpu.dma_semaphore, #tpu.memory_space<semaphore_mem>>) src(%dma_wait3A_61 : memref<10000xi32, #tpu.memory_space<hbm>>) dst(%arg9 : memref<10000xi32, #tpu.memory_space<vmem>>)
      tpu.yield
    }) : () -> ()
    %mul3A_11 = arith.constant 10000 : i32
    %mul3A_12 = arith.muli %add3A, %mul3A_11 : i32
    "tpu.region"() ({
      %run_scoped3A = tpu.sem_alloc : memref<!tpu.dma_semaphore, #tpu.memory_space<semaphore_mem>>
      %dma_start3A_58 = tpu.memref_slice %arg4[%mul3A_12] : memref<320000xi32, #tpu.memory_space<hbm>> -> memref<10000xi32, #tpu.memory_space<hbm>>
      %dma_start3A_59 = tpu.memref_slice %arg4[%mul3A_12] : memref<320000xi32, #tpu.memory_space<hbm>> -> memref<10000xi32, #tpu.memory_space<hbm>>
      tpu.enqueue_dma source(%dma_start3A_59 : memref<10000xi32, #tpu.memory_space<hbm>>) target(%arg10 : memref<10000xi32, #tpu.memory_space<vmem>>) target_semaphore(%run_scoped3A : memref<!tpu.dma_semaphore, #tpu.memory_space<semaphore_mem>>)
      %dma_wait3A_60 = tpu.memref_slice %arg4[%mul3A_12] : memref<320000xi32, #tpu.memory_space<hbm>> -> memref<10000xi32, #tpu.memory_space<hbm>>
      %dma_wait3A_61 = tpu.memref_slice %arg4[%mul3A_12] : memref<320000xi32, #tpu.memory_space<hbm>> -> memref<10000xi32, #tpu.memory_space<hbm>>
      tpu.wait_dma2 semaphore(%run_scoped3A : memref<!tpu.dma_semaphore, #tpu.memory_space<semaphore_mem>>) src(%dma_wait3A_61 : memref<10000xi32, #tpu.memory_space<hbm>>) dst(%arg10 : memref<10000xi32, #tpu.memory_space<vmem>>)
      tpu.yield
    }) : () -> ()
    %scan3A = arith.constant 0 : i32
    %scan3A_13 = arith.constant 0 : i32
    %scan3A_14 = arith.constant 625 : i32
    %scan3A_15 = arith.addi %scan3A_13, %scan3A_14 : i32
    %scan3A_16 = arith.constant 1 : i32
    scf.for %scan3A_58 = %scan3A_13 to %scan3A_15 step %scan3A_16  : i32 {
      %mul3A_59 = arith.constant 16 : i32
      %mul3A_60 = arith.muli %scan3A_58, %mul3A_59 : i32
      %get3A = arith.index_cast %mul3A_60 : i32 to index
      %get3A_61 = tpu.vector_load %arg8[%get3A] {strides = array<i32>} : memref<10000xi32, #tpu.memory_space<vmem>>, vector<16xi32>,
      %mul3A_62 = arith.constant 16 : i32
      %mul3A_63 = arith.muli %scan3A_58, %mul3A_62 : i32
      %get3A_64 = arith.index_cast %mul3A_63 : i32 to index
      %get3A_65 = tpu.vector_load %arg9[%get3A_64] {strides = array<i32>} : memref<10000xi32, #tpu.memory_space<vmem>>, vector<16xi32>,
      %mul3A_66 = arith.constant 16 : i32
      %mul3A_67 = arith.muli %scan3A_58, %mul3A_66 : i32
      %get3A_68 = arith.index_cast %mul3A_67 : i32 to index
      %get3A_69 = tpu.vector_load %arg10[%get3A_68] {strides = array<i32>} : memref<10000xi32, #tpu.memory_space<vmem>>, vector<16xi32>,
      %mul3A_70 = arith.constant 12 : i32
      %mul3A_71 = vector.broadcast %mul3A_70 : i32 to vector<16xi32>
      %mul3A_72 = arith.muli %get3A_61, %mul3A_71 : vector<16xi32>
      %mul3A_73 = arith.constant 2 : i32
      %mul3A_74 = vector.broadcast %mul3A_73 : i32 to vector<16xi32>
      %mul3A_75 = arith.muli %get3A_65, %mul3A_74 : vector<16xi32>
      %add3A_76 = arith.addi %mul3A_72, %mul3A_75 : vector<16xi32>
      %add3A_77 = arith.addi %add3A_76, %get3A_69 : vector<16xi32>
      %mul3A_78 = arith.constant 128 : i32
      %mul3A_79 = vector.broadcast %mul3A_78 : i32 to vector<16xi32>
      %mul3A_80 = arith.muli %add3A_77, %mul3A_79 : vector<16xi32>
      %mul3A_81 = arith.constant 16 : i32
      %mul3A_82 = arith.muli %scan3A_58, %mul3A_81 : i32
      %swap3A = arith.index_cast %mul3A_82 : i32 to index
      %swap3A_83 = tpu.vector_load %arg11[%swap3A] {strides = array<i32>} : memref<10000xi32, #tpu.memory_space<vmem>>, vector<16xi32>,
      tpu.vector_store %arg11[%swap3A], %mul3A_80 {strides = array<i32>} : memref<10000xi32, #tpu.memory_space<vmem>>, vector<16xi32>,
    }
    %scan3A_17 = arith.constant 625 : i32
    "tpu.region"() ({
      %run_scoped3A = tpu.sem_alloc : memref<!tpu.dma_semaphore, #tpu.memory_space<semaphore_mem>>
      %dma_start3A_58 = tpu.memref_slice %arg7[%mul3A_6] : memref<160000xi32, #tpu.memory_space<vmem_shared>> -> memref<10000xi32, #tpu.memory_space<vmem_shared>>
      %dma_start3A_59 = tpu.memref_slice %arg7[%mul3A_6] : memref<160000xi32, #tpu.memory_space<vmem_shared>> -> memref<10000xi32, #tpu.memory_space<vmem_shared>>
      tpu.enqueue_dma source(%arg11 : memref<10000xi32, #tpu.memory_space<vmem>>) target(%dma_start3A_59 : memref<10000xi32, #tpu.memory_space<vmem_shared>>) target_semaphore(%run_scoped3A : memref<!tpu.dma_semaphore, #tpu.memory_space<semaphore_mem>>)
      %dma_wait3A_60 = tpu.memref_slice %arg7[%mul3A_6] : memref<160000xi32, #tpu.memory_space<vmem_shared>> -> memref<10000xi32, #tpu.memory_space<vmem_shared>>
      %dma_wait3A_61 = tpu.memref_slice %arg7[%mul3A_6] : memref<160000xi32, #tpu.memory_space<vmem_shared>> -> memref<10000xi32, #tpu.memory_space<vmem_shared>>
      tpu.wait_dma2 semaphore(%run_scoped3A : memref<!tpu.dma_semaphore, #tpu.memory_space<semaphore_mem>>) src(%arg11 : memref<10000xi32, #tpu.memory_space<vmem>>) dst(%dma_wait3A_61 : memref<10000xi32, #tpu.memory_space<vmem_shared>>)
      tpu.yield
    }) : () -> ()
    "tpu.region"() ({
      %run_scoped3A = tpu.sem_alloc : memref<!tpu.dma_semaphore, #tpu.memory_space<semaphore_mem>>
      tpu.enqueue_dma source(%arg5 : memref<7680xf32, #tpu.memory_space<hbm>>) target(%arg12 : memref<7680xf32, #tpu.memory_space<vmem>>) target_semaphore(%run_scoped3A : memref<!tpu.dma_semaphore, #tpu.memory_space<semaphore_mem>>)
      tpu.wait_dma2 semaphore(%run_scoped3A : memref<!tpu.dma_semaphore, #tpu.memory_space<semaphore_mem>>) src(%arg5 : memref<7680xf32, #tpu.memory_space<hbm>>) dst(%arg12 : memref<7680xf32, #tpu.memory_space<vmem>>)
      tpu.yield
    }) : () -> ()
    %add3A_18 = arith.constant 0 : i32
    %add3A_19 = arith.addi %mul3A_6, %add3A_18 : i32
    %dma_start3A = tpu.memref_slice %arg7[%add3A_19] : memref<160000xi32, #tpu.memory_space<vmem_shared>> -> memref<200xi32, #tpu.memory_space<vmem_shared>>
    tpu.enqueue_dma source(%dma_start3A : memref<200xi32, #tpu.memory_space<vmem_shared>>) target(%arg15 : memref<200xi32, #tpu.memory_space<smem>>) target_semaphore(%arg17 : memref<!tpu.dma_semaphore, #tpu.memory_space<semaphore_mem>>)
    %add3A_20 = arith.constant 0 : i32
    %add3A_21 = arith.addi %mul3A_6, %add3A_20 : i32
    %dma_wait3A = tpu.memref_slice %arg7[%add3A_21] : memref<160000xi32, #tpu.memory_space<vmem_shared>> -> memref<200xi32, #tpu.memory_space<vmem_shared>>
    tpu.wait_dma2 semaphore(%arg17 : memref<!tpu.dma_semaphore, #tpu.memory_space<semaphore_mem>>) src(%dma_wait3A : memref<200xi32, #tpu.memory_space<vmem_shared>>) dst(%arg15 : memref<200xi32, #tpu.memory_space<smem>>)
    %add3A_22 = arith.constant 200 : i32
    %add3A_23 = arith.addi %mul3A_6, %add3A_22 : i32
    %dma_start3A_24 = tpu.memref_slice %arg7[%add3A_23] : memref<160000xi32, #tpu.memory_space<vmem_shared>> -> memref<200xi32, #tpu.memory_space<vmem_shared>>
    tpu.enqueue_dma source(%dma_start3A_24 : memref<200xi32, #tpu.memory_space<vmem_shared>>) target(%arg16 : memref<200xi32, #tpu.memory_space<smem>>) target_semaphore(%arg18 : memref<!tpu.dma_semaphore, #tpu.memory_space<semaphore_mem>>)
    %parallel_loop3A = arith.constant 0 : i32
    %parallel_loop3A_25 = arith.constant 200 : i32
    %parallel_loop3A_26 = arith.constant 1 : i32
    scf.for %parallel_loop3A_58 = %parallel_loop3A to %parallel_loop3A_25 step %parallel_loop3A_26  : i32 {
      %parallel_loop3A_59 = arith.index_cast %parallel_loop3A_58 : i32 to index
      %parallel_loop3A_60 = memref.load %arg15[%parallel_loop3A_59] : memref<200xi32, #tpu.memory_space<smem>>
      %parallel_loop3A_61 = arith.constant 128 : i32
      %parallel_loop3A_62 = arith.muli %parallel_loop3A_58, %parallel_loop3A_61 : i32
      %parallel_loop3A_63 = arith.constant 0 : i32
      %parallel_loop3A_64 = arith.addi %parallel_loop3A_60, %parallel_loop3A_63 : i32
      %parallel_loop3A_65 = arith.index_cast %parallel_loop3A_64 : i32 to index
      %parallel_loop3A_66 = tpu.vector_load %arg12[%parallel_loop3A_65] {strides = array<i32>} : memref<7680xf32, #tpu.memory_space<vmem>>, vector<16xf32>,
      %parallel_loop3A_67 = arith.constant 0 : i32
      %parallel_loop3A_68 = arith.addi %parallel_loop3A_62, %parallel_loop3A_67 : i32
      %parallel_loop3A_69 = arith.index_cast %parallel_loop3A_68 : i32 to index
      %parallel_loop3A_70 = tpu.vector_load %arg13[%parallel_loop3A_69] {strides = array<i32>} : memref<25600xf32, #tpu.memory_space<vmem>>, vector<16xf32>,
      tpu.vector_store %arg13[%parallel_loop3A_69], %parallel_loop3A_66 {strides = array<i32>} : memref<25600xf32, #tpu.memory_space<vmem>>, vector<16xf32>,
      %parallel_loop3A_71 = arith.constant 16 : i32
      %parallel_loop3A_72 = arith.addi %parallel_loop3A_60, %parallel_loop3A_71 : i32
      %parallel_loop3A_73 = arith.index_cast %parallel_loop3A_72 : i32 to index
      %parallel_loop3A_74 = tpu.vector_load %arg12[%parallel_loop3A_73] {strides = array<i32>} : memref<7680xf32, #tpu.memory_space<vmem>>, vector<16xf32>,
      %parallel_loop3A_75 = arith.constant 16 : i32
      %parallel_loop3A_76 = arith.addi %parallel_loop3A_62, %parallel_loop3A_75 : i32
      %parallel_loop3A_77 = arith.index_cast %parallel_loop3A_76 : i32 to index
      %parallel_loop3A_78 = tpu.vector_load %arg13[%parallel_loop3A_77] {strides = array<i32>} : memref<25600xf32, #tpu.memory_space<vmem>>, vector<16xf32>,
      tpu.vector_store %arg13[%parallel_loop3A_77], %parallel_loop3A_74 {strides = array<i32>} : memref<25600xf32, #tpu.memory_space<vmem>>, vector<16xf32>,
      %parallel_loop3A_79 = arith.constant 32 : i32
      %parallel_loop3A_80 = arith.addi %parallel_loop3A_60, %parallel_loop3A_79 : i32
      %parallel_loop3A_81 = arith.index_cast %parallel_loop3A_80 : i32 to index
      %parallel_loop3A_82 = tpu.vector_load %arg12[%parallel_loop3A_81] {strides = array<i32>} : memref<7680xf32, #tpu.memory_space<vmem>>, vector<16xf32>,
      %parallel_loop3A_83 = arith.constant 32 : i32
      %parallel_loop3A_84 = arith.addi %parallel_loop3A_62, %parallel_loop3A_83 : i32
      %parallel_loop3A_85 = arith.index_cast %parallel_loop3A_84 : i32 to index
      %parallel_loop3A_86 = tpu.vector_load %arg13[%parallel_loop3A_85] {strides = array<i32>} : memref<25600xf32, #tpu.memory_space<vmem>>, vector<16xf32>,
      tpu.vector_store %arg13[%parallel_loop3A_85], %parallel_loop3A_82 {strides = array<i32>} : memref<25600xf32, #tpu.memory_space<vmem>>, vector<16xf32>,
      %parallel_loop3A_87 = arith.constant 48 : i32
      %parallel_loop3A_88 = arith.addi %parallel_loop3A_60, %parallel_loop3A_87 : i32
      %parallel_loop3A_89 = arith.index_cast %parallel_loop3A_88 : i32 to index
      %parallel_loop3A_90 = tpu.vector_load %arg12[%parallel_loop3A_89] {strides = array<i32>} : memref<7680xf32, #tpu.memory_space<vmem>>, vector<16xf32>,
      %parallel_loop3A_91 = arith.constant 48 : i32
      %parallel_loop3A_92 = arith.addi %parallel_loop3A_62, %parallel_loop3A_91 : i32
      %parallel_loop3A_93 = arith.index_cast %parallel_loop3A_92 : i32 to index
      %parallel_loop3A_94 = tpu.vector_load %arg13[%parallel_loop3A_93] {strides = array<i32>} : memref<25600xf32, #tpu.memory_space<vmem>>, vector<16xf32>,
      tpu.vector_store %arg13[%parallel_loop3A_93], %parallel_loop3A_90 {strides = array<i32>} : memref<25600xf32, #tpu.memory_space<vmem>>, vector<16xf32>,
      %parallel_loop3A_95 = arith.constant 64 : i32
      %parallel_loop3A_96 = arith.addi %parallel_loop3A_60, %parallel_loop3A_95 : i32
      %parallel_loop3A_97 = arith.index_cast %parallel_loop3A_96 : i32 to index
      %parallel_loop3A_98 = tpu.vector_load %arg12[%parallel_loop3A_97] {strides = array<i32>} : memref<7680xf32, #tpu.memory_space<vmem>>, vector<16xf32>,
      %parallel_loop3A_99 = arith.constant 64 : i32
      %parallel_loop3A_100 = arith.addi %parallel_loop3A_62, %parallel_loop3A_99 : i32
      %parallel_loop3A_101 = arith.index_cast %parallel_loop3A_100 : i32 to index
      %parallel_loop3A_102 = tpu.vector_load %arg13[%parallel_loop3A_101] {strides = array<i32>} : memref<25600xf32, #tpu.memory_space<vmem>>, vector<16xf32>,
      tpu.vector_store %arg13[%parallel_loop3A_101], %parallel_loop3A_98 {strides = array<i32>} : memref<25600xf32, #tpu.memory_space<vmem>>, vector<16xf32>,
      %parallel_loop3A_103 = arith.constant 80 : i32
      %parallel_loop3A_104 = arith.addi %parallel_loop3A_60, %parallel_loop3A_103 : i32
      %parallel_loop3A_105 = arith.index_cast %parallel_loop3A_104 : i32 to index
      %parallel_loop3A_106 = tpu.vector_load %arg12[%parallel_loop3A_105] {strides = array<i32>} : memref<7680xf32, #tpu.memory_space<vmem>>, vector<16xf32>,
      %parallel_loop3A_107 = arith.constant 80 : i32
      %parallel_loop3A_108 = arith.addi %parallel_loop3A_62, %parallel_loop3A_107 : i32
      %parallel_loop3A_109 = arith.index_cast %parallel_loop3A_108 : i32 to index
      %parallel_loop3A_110 = tpu.vector_load %arg13[%parallel_loop3A_109] {strides = array<i32>} : memref<25600xf32, #tpu.memory_space<vmem>>, vector<16xf32>,
      tpu.vector_store %arg13[%parallel_loop3A_109], %parallel_loop3A_106 {strides = array<i32>} : memref<25600xf32, #tpu.memory_space<vmem>>, vector<16xf32>,
      %parallel_loop3A_111 = arith.constant 96 : i32
      %parallel_loop3A_112 = arith.addi %parallel_loop3A_60, %parallel_loop3A_111 : i32
      %parallel_loop3A_113 = arith.index_cast %parallel_loop3A_112 : i32 to index
      %parallel_loop3A_114 = tpu.vector_load %arg12[%parallel_loop3A_113] {strides = array<i32>} : memref<7680xf32, #tpu.memory_space<vmem>>, vector<16xf32>,
      %parallel_loop3A_115 = arith.constant 96 : i32
      %parallel_loop3A_116 = arith.addi %parallel_loop3A_62, %parallel_loop3A_115 : i32
      %parallel_loop3A_117 = arith.index_cast %parallel_loop3A_116 : i32 to index
      %parallel_loop3A_118 = tpu.vector_load %arg13[%parallel_loop3A_117] {strides = array<i32>} : memref<25600xf32, #tpu.memory_space<vmem>>, vector<16xf32>,
      tpu.vector_store %arg13[%parallel_loop3A_117], %parallel_loop3A_114 {strides = array<i32>} : memref<25600xf32, #tpu.memory_space<vmem>>, vector<16xf32>,
      %parallel_loop3A_119 = arith.constant 112 : i32
      %parallel_loop3A_120 = arith.addi %parallel_loop3A_60, %parallel_loop3A_119 : i32
      %parallel_loop3A_121 = arith.index_cast %parallel_loop3A_120 : i32 to index
      %parallel_loop3A_122 = tpu.vector_load %arg12[%parallel_loop3A_121] {strides = array<i32>} : memref<7680xf32, #tpu.memory_space<vmem>>, vector<16xf32>,
      %parallel_loop3A_123 = arith.constant 112 : i32
      %parallel_loop3A_124 = arith.addi %parallel_loop3A_62, %parallel_loop3A_123 : i32
      %parallel_loop3A_125 = arith.index_cast %parallel_loop3A_124 : i32 to index
      %parallel_loop3A_126 = tpu.vector_load %arg13[%parallel_loop3A_125] {strides = array<i32>} : memref<25600xf32, #tpu.memory_space<vmem>>, vector<16xf32>,
      tpu.vector_store %arg13[%parallel_loop3A_125], %parallel_loop3A_122 {strides = array<i32>} : memref<25600xf32, #tpu.memory_space<vmem>>, vector<16xf32>,
    } {sc.loop_unroll_factor = 4 : i64, sc.parallel_access}
    %add3A_27 = arith.constant 0 : i32
    %add3A_28 = arith.addi %mul3A_4, %add3A_27 : i32
    %dma_start3A_29 = tpu.memref_slice %arg6[%add3A_28] : memref<40960000xf32, #tpu.memory_space<hbm>> -> memref<25600xf32, #tpu.memory_space<hbm>>
    %dma_start3A_30 = tpu.memref_slice %arg6[%add3A_28] : memref<40960000xf32, #tpu.memory_space<hbm>> -> memref<25600xf32, #tpu.memory_space<hbm>>
    tpu.enqueue_dma source(%arg13 : memref<25600xf32, #tpu.memory_space<vmem>>) target(%dma_start3A_30 : memref<25600xf32, #tpu.memory_space<hbm>>) target_semaphore(%arg19 : memref<!tpu.dma_semaphore, #tpu.memory_space<semaphore_mem>>)
    %add3A_31 = arith.constant 200 : i32
    %add3A_32 = arith.addi %mul3A_6, %add3A_31 : i32
    %dma_wait3A_33 = tpu.memref_slice %arg7[%add3A_32] : memref<160000xi32, #tpu.memory_space<vmem_shared>> -> memref<200xi32, #tpu.memory_space<vmem_shared>>
    tpu.wait_dma2 semaphore(%arg18 : memref<!tpu.dma_semaphore, #tpu.memory_space<semaphore_mem>>) src(%dma_wait3A_33 : memref<200xi32, #tpu.memory_space<vmem_shared>>) dst(%arg16 : memref<200xi32, #tpu.memory_space<smem>>)
    %add3A_34 = arith.constant 400 : i32
    %add3A_35 = arith.addi %mul3A_6, %add3A_34 : i32
    %dma_start3A_36 = tpu.memref_slice %arg7[%add3A_35] : memref<160000xi32, #tpu.memory_space<vmem_shared>> -> memref<200xi32, #tpu.memory_space<vmem_shared>>
    tpu.enqueue_dma source(%dma_start3A_36 : memref<200xi32, #tpu.memory_space<vmem_shared>>) target(%arg15 : memref<200xi32, #tpu.memory_space<smem>>) target_semaphore(%arg17 : memref<!tpu.dma_semaphore, #tpu.memory_space<semaphore_mem>>)
    %parallel_loop3A_37 = arith.constant 0 : i32
    %parallel_loop3A_38 = arith.constant 200 : i32
    %parallel_loop3A_39 = arith.constant 1 : i32
    scf.for %parallel_loop3A_58 = %parallel_loop3A_37 to %parallel_loop3A_38 step %parallel_loop3A_39  : i32 {
      %parallel_loop3A_59 = arith.index_cast %parallel_loop3A_58 : i32 to index
      %parallel_loop3A_60 = memref.load %arg16[%parallel_loop3A_59] : memref<200xi32, #tpu.memory_space<smem>>
      %parallel_loop3A_61 = arith.constant 128 : i32
      %parallel_loop3A_62 = arith.muli %parallel_loop3A_58, %parallel_loop3A_61 : i32
      %parallel_loop3A_63 = arith.constant 0 : i32
      %parallel_loop3A_64 = arith.addi %parallel_loop3A_60, %parallel_loop3A_63 : i32
      %parallel_loop3A_65 = arith.index_cast %parallel_loop3A_64 : i32 to index
      %parallel_loop3A_66 = tpu.vector_load %arg12[%parallel_loop3A_65] {strides = array<i32>} : memref<7680xf32, #tpu.memory_space<vmem>>, vector<16xf32>,
      %parallel_loop3A_67 = arith.constant 0 : i32
      %parallel_loop3A_68 = arith.addi %parallel_loop3A_62, %parallel_loop3A_67 : i32
      %parallel_loop3A_69 = arith.index_cast %parallel_loop3A_68 : i32 to index
      %parallel_loop3A_70 = tpu.vector_load %arg14[%parallel_loop3A_69] {strides = array<i32>} : memref<25600xf32, #tpu.memory_space<vmem>>, vector<16xf32>,
      tpu.vector_store %arg14[%parallel_loop3A_69], %parallel_loop3A_66 {strides = array<i32>} : memref<25600xf32, #tpu.memory_space<vmem>>, vector<16xf32>,
      %parallel_loop3A_71 = arith.constant 16 : i32
      %parallel_loop3A_72 = arith.addi %parallel_loop3A_60, %parallel_loop3A_71 : i32
      %parallel_loop3A_73 = arith.index_cast %parallel_loop3A_72 : i32 to index
      %parallel_loop3A_74 = tpu.vector_load %arg12[%parallel_loop3A_73] {strides = array<i32>} : memref<7680xf32, #tpu.memory_space<vmem>>, vector<16xf32>,
      %parallel_loop3A_75 = arith.constant 16 : i32
      %parallel_loop3A_76 = arith.addi %parallel_loop3A_62, %parallel_loop3A_75 : i32
      %parallel_loop3A_77 = arith.index_cast %parallel_loop3A_76 : i32 to index
      %parallel_loop3A_78 = tpu.vector_load %arg14[%parallel_loop3A_77] {strides = array<i32>} : memref<25600xf32, #tpu.memory_space<vmem>>, vector<16xf32>,
      tpu.vector_store %arg14[%parallel_loop3A_77], %parallel_loop3A_74 {strides = array<i32>} : memref<25600xf32, #tpu.memory_space<vmem>>, vector<16xf32>,
      %parallel_loop3A_79 = arith.constant 32 : i32
      %parallel_loop3A_80 = arith.addi %parallel_loop3A_60, %parallel_loop3A_79 : i32
      %parallel_loop3A_81 = arith.index_cast %parallel_loop3A_80 : i32 to index
      %parallel_loop3A_82 = tpu.vector_load %arg12[%parallel_loop3A_81] {strides = array<i32>} : memref<7680xf32, #tpu.memory_space<vmem>>, vector<16xf32>,
      %parallel_loop3A_83 = arith.constant 32 : i32
      %parallel_loop3A_84 = arith.addi %parallel_loop3A_62, %parallel_loop3A_83 : i32
      %parallel_loop3A_85 = arith.index_cast %parallel_loop3A_84 : i32 to index
      %parallel_loop3A_86 = tpu.vector_load %arg14[%parallel_loop3A_85] {strides = array<i32>} : memref<25600xf32, #tpu.memory_space<vmem>>, vector<16xf32>,
      tpu.vector_store %arg14[%parallel_loop3A_85], %parallel_loop3A_82 {strides = array<i32>} : memref<25600xf32, #tpu.memory_space<vmem>>, vector<16xf32>,
      %parallel_loop3A_87 = arith.constant 48 : i32
      %parallel_loop3A_88 = arith.addi %parallel_loop3A_60, %parallel_loop3A_87 : i32
      %parallel_loop3A_89 = arith.index_cast %parallel_loop3A_88 : i32 to index
      %parallel_loop3A_90 = tpu.vector_load %arg12[%parallel_loop3A_89] {strides = array<i32>} : memref<7680xf32, #tpu.memory_space<vmem>>, vector<16xf32>,
      %parallel_loop3A_91 = arith.constant 48 : i32
      %parallel_loop3A_92 = arith.addi %parallel_loop3A_62, %parallel_loop3A_91 : i32
      %parallel_loop3A_93 = arith.index_cast %parallel_loop3A_92 : i32 to index
      %parallel_loop3A_94 = tpu.vector_load %arg14[%parallel_loop3A_93] {strides = array<i32>} : memref<25600xf32, #tpu.memory_space<vmem>>, vector<16xf32>,
      tpu.vector_store %arg14[%parallel_loop3A_93], %parallel_loop3A_90 {strides = array<i32>} : memref<25600xf32, #tpu.memory_space<vmem>>, vector<16xf32>,
      %parallel_loop3A_95 = arith.constant 64 : i32
      %parallel_loop3A_96 = arith.addi %parallel_loop3A_60, %parallel_loop3A_95 : i32
      %parallel_loop3A_97 = arith.index_cast %parallel_loop3A_96 : i32 to index
      %parallel_loop3A_98 = tpu.vector_load %arg12[%parallel_loop3A_97] {strides = array<i32>} : memref<7680xf32, #tpu.memory_space<vmem>>, vector<16xf32>,
      %parallel_loop3A_99 = arith.constant 64 : i32
      %parallel_loop3A_100 = arith.addi %parallel_loop3A_62, %parallel_loop3A_99 : i32
      %parallel_loop3A_101 = arith.index_cast %parallel_loop3A_100 : i32 to index
      %parallel_loop3A_102 = tpu.vector_load %arg14[%parallel_loop3A_101] {strides = array<i32>} : memref<25600xf32, #tpu.memory_space<vmem>>, vector<16xf32>,
      tpu.vector_store %arg14[%parallel_loop3A_101], %parallel_loop3A_98 {strides = array<i32>} : memref<25600xf32, #tpu.memory_space<vmem>>, vector<16xf32>,
      %parallel_loop3A_103 = arith.constant 80 : i32
      %parallel_loop3A_104 = arith.addi %parallel_loop3A_60, %parallel_loop3A_103 : i32
      %parallel_loop3A_105 = arith.index_cast %parallel_loop3A_104 : i32 to index
      %parallel_loop3A_106 = tpu.vector_load %arg12[%parallel_loop3A_105] {strides = array<i32>} : memref<7680xf32, #tpu.memory_space<vmem>>, vector<16xf32>,
      %parallel_loop3A_107 = arith.constant 80 : i32
      %parallel_loop3A_108 = arith.addi %parallel_loop3A_62, %parallel_loop3A_107 : i32
      %parallel_loop3A_109 = arith.index_cast %parallel_loop3A_108 : i32 to index
      %parallel_loop3A_110 = tpu.vector_load %arg14[%parallel_loop3A_109] {strides = array<i32>} : memref<25600xf32, #tpu.memory_space<vmem>>, vector<16xf32>,
      tpu.vector_store %arg14[%parallel_loop3A_109], %parallel_loop3A_106 {strides = array<i32>} : memref<25600xf32, #tpu.memory_space<vmem>>, vector<16xf32>,
      %parallel_loop3A_111 = arith.constant 96 : i32
      %parallel_loop3A_112 = arith.addi %parallel_loop3A_60, %parallel_loop3A_111 : i32
      %parallel_loop3A_113 = arith.index_cast %parallel_loop3A_112 : i32 to index
      %parallel_loop3A_114 = tpu.vector_load %arg12[%parallel_loop3A_113] {strides = array<i32>} : memref<7680xf32, #tpu.memory_space<vmem>>, vector<16xf32>,
      %parallel_loop3A_115 = arith.constant 96 : i32
      %parallel_loop3A_116 = arith.addi %parallel_loop3A_62, %parallel_loop3A_115 : i32
      %parallel_loop3A_117 = arith.index_cast %parallel_loop3A_116 : i32 to index
      %parallel_loop3A_118 = tpu.vector_load %arg14[%parallel_loop3A_117] {strides = array<i32>} : memref<25600xf32, #tpu.memory_space<vmem>>, vector<16xf32>,
      tpu.vector_store %arg14[%parallel_loop3A_117], %parallel_loop3A_114 {strides = array<i32>} : memref<25600xf32, #tpu.memory_space<vmem>>, vector<16xf32>,
      %parallel_loop3A_119 = arith.constant 112 : i32
      %parallel_loop3A_120 = arith.addi %parallel_loop3A_60, %parallel_loop3A_119 : i32
      %parallel_loop3A_121 = arith.index_cast %parallel_loop3A_120 : i32 to index
      %parallel_loop3A_122 = tpu.vector_load %arg12[%parallel_loop3A_121] {strides = array<i32>} : memref<7680xf32, #tpu.memory_space<vmem>>, vector<16xf32>,
      %parallel_loop3A_123 = arith.constant 112 : i32
      %parallel_loop3A_124 = arith.addi %parallel_loop3A_62, %parallel_loop3A_123 : i32
      %parallel_loop3A_125 = arith.index_cast %parallel_loop3A_124 : i32 to index
      %parallel_loop3A_126 = tpu.vector_load %arg14[%parallel_loop3A_125] {strides = array<i32>} : memref<25600xf32, #tpu.memory_space<vmem>>, vector<16xf32>,
      tpu.vector_store %arg14[%parallel_loop3A_125], %parallel_loop3A_122 {strides = array<i32>} : memref<25600xf32, #tpu.memory_space<vmem>>, vector<16xf32>,
    } {sc.loop_unroll_factor = 4 : i64, sc.parallel_access}
    %add3A_40 = arith.constant 25600 : i32
    %add3A_41 = arith.addi %mul3A_4, %add3A_40 : i32
    %dma_start3A_42 = tpu.memref_slice %arg6[%add3A_41] : memref<40960000xf32, #tpu.memory_space<hbm>> -> memref<25600xf32, #tpu.memory_space<hbm>>
    %dma_start3A_43 = tpu.memref_slice %arg6[%add3A_41] : memref<40960000xf32, #tpu.memory_space<hbm>> -> memref<25600xf32, #tpu.memory_space<hbm>>
    tpu.enqueue_dma source(%arg14 : memref<25600xf32, #tpu.memory_space<vmem>>) target(%dma_start3A_43 : memref<25600xf32, #tpu.memory_space<hbm>>) target_semaphore(%arg20 : memref<!tpu.dma_semaphore, #tpu.memory_space<semaphore_mem>>)
    %scan3A_44 = arith.constant 0 : i32
    %scan3A_45 = arith.constant 0 : i32
    %scan3A_46 = arith.constant 24 : i32
    %scan3A_47 = arith.addi %scan3A_45, %scan3A_46 : i32
    %scan3A_48 = arith.constant 1 : i32
    scf.for %scan3A_58 = %scan3A_45 to %scan3A_47 step %scan3A_48  : i32 {
      %mul3A_59 = arith.constant 2 : i32
      %mul3A_60 = arith.muli %mul3A_59, %scan3A_58 : i32
      %add3A_61 = arith.constant 2 : i32
      %add3A_62 = arith.addi %mul3A_60, %add3A_61 : i32
      %sub3A = arith.constant 2 : i32
      %sub3A_63 = arith.subi %add3A_62, %sub3A : i32
      %mul3A_64 = arith.constant 25600 : i32
      %mul3A_65 = arith.muli %sub3A_63, %mul3A_64 : i32
      %add3A_66 = arith.addi %mul3A_4, %mul3A_65 : i32
      %dma_wait3A_67 = tpu.memref_slice %arg6[%add3A_66] : memref<40960000xf32, #tpu.memory_space<hbm>> -> memref<25600xf32, #tpu.memory_space<hbm>>
      %dma_wait3A_68 = tpu.memref_slice %arg6[%add3A_66] : memref<40960000xf32, #tpu.memory_space<hbm>> -> memref<25600xf32, #tpu.memory_space<hbm>>
      tpu.wait_dma2 semaphore(%arg19 : memref<!tpu.dma_semaphore, #tpu.memory_space<semaphore_mem>>) src(%arg13 : memref<25600xf32, #tpu.memory_space<vmem>>) dst(%dma_wait3A_68 : memref<25600xf32, #tpu.memory_space<hbm>>)
      %mul3A_69 = arith.constant 200 : i32
      %mul3A_70 = arith.muli %add3A_62, %mul3A_69 : i32
      %add3A_71 = arith.addi %mul3A_6, %mul3A_70 : i32
      %dma_wait3A_72 = tpu.memref_slice %arg7[%add3A_71] : memref<160000xi32, #tpu.memory_space<vmem_shared>> -> memref<200xi32, #tpu.memory_space<vmem_shared>>
      tpu.wait_dma2 semaphore(%arg17 : memref<!tpu.dma_semaphore, #tpu.memory_space<semaphore_mem>>) src(%dma_wait3A_72 : memref<200xi32, #tpu.memory_space<vmem_shared>>) dst(%arg15 : memref<200xi32, #tpu.memory_space<smem>>)
      %add3A_73 = arith.constant 1 : i32
      %add3A_74 = arith.addi %add3A_62, %add3A_73 : i32
      %lt3A = arith.constant 50 : i32
      %lt3A_75 = arith.cmpi slt, %add3A_74, %lt3A : i32
      %convert_element_type3A = arith.extui %lt3A_75 : i1 to i32
      %cond3A = arith.constant 0 : i32
      %cond3A_76 = arith.cmpi ne, %convert_element_type3A, %cond3A : i32
      scf.if %cond3A_76 {
        %add3A_113 = arith.constant 1 : i32
        %add3A_114 = arith.addi %add3A_62, %add3A_113 : i32
        %mul3A_115 = arith.constant 200 : i32
        %mul3A_116 = arith.muli %add3A_114, %mul3A_115 : i32
        %add3A_117 = arith.addi %mul3A_6, %mul3A_116 : i32
        %dma_start3A_118 = tpu.memref_slice %arg7[%add3A_117] : memref<160000xi32, #tpu.memory_space<vmem_shared>> -> memref<200xi32, #tpu.memory_space<vmem_shared>>
        tpu.enqueue_dma source(%dma_start3A_118 : memref<200xi32, #tpu.memory_space<vmem_shared>>) target(%arg16 : memref<200xi32, #tpu.memory_space<smem>>) target_semaphore(%arg18 : memref<!tpu.dma_semaphore, #tpu.memory_space<semaphore_mem>>)
      } else {
      }
      %parallel_loop3A_77 = arith.constant 0 : i32
      %parallel_loop3A_78 = arith.constant 200 : i32
      %parallel_loop3A_79 = arith.constant 1 : i32
      scf.for %parallel_loop3A_113 = %parallel_loop3A_77 to %parallel_loop3A_78 step %parallel_loop3A_79  : i32 {
        %parallel_loop3A_114 = arith.index_cast %parallel_loop3A_113 : i32 to index
        %parallel_loop3A_115 = memref.load %arg15[%parallel_loop3A_114] : memref<200xi32, #tpu.memory_space<smem>>
        %parallel_loop3A_116 = arith.constant 128 : i32
        %parallel_loop3A_117 = arith.muli %parallel_loop3A_113, %parallel_loop3A_116 : i32
        %parallel_loop3A_118 = arith.constant 0 : i32
        %parallel_loop3A_119 = arith.addi %parallel_loop3A_115, %parallel_loop3A_118 : i32
        %parallel_loop3A_120 = arith.index_cast %parallel_loop3A_119 : i32 to index
        %parallel_loop3A_121 = tpu.vector_load %arg12[%parallel_loop3A_120] {strides = array<i32>} : memref<7680xf32, #tpu.memory_space<vmem>>, vector<16xf32>,
        %parallel_loop3A_122 = arith.constant 0 : i32
        %parallel_loop3A_123 = arith.addi %parallel_loop3A_117, %parallel_loop3A_122 : i32
        %parallel_loop3A_124 = arith.index_cast %parallel_loop3A_123 : i32 to index
        %parallel_loop3A_125 = tpu.vector_load %arg13[%parallel_loop3A_124] {strides = array<i32>} : memref<25600xf32, #tpu.memory_space<vmem>>, vector<16xf32>,
        tpu.vector_store %arg13[%parallel_loop3A_124], %parallel_loop3A_121 {strides = array<i32>} : memref<25600xf32, #tpu.memory_space<vmem>>, vector<16xf32>,
        %parallel_loop3A_126 = arith.constant 16 : i32
        %parallel_loop3A_127 = arith.addi %parallel_loop3A_115, %parallel_loop3A_126 : i32
        %parallel_loop3A_128 = arith.index_cast %parallel_loop3A_127 : i32 to index
        %parallel_loop3A_129 = tpu.vector_load %arg12[%parallel_loop3A_128] {strides = array<i32>} : memref<7680xf32, #tpu.memory_space<vmem>>, vector<16xf32>,
        %parallel_loop3A_130 = arith.constant 16 : i32
        %parallel_loop3A_131 = arith.addi %parallel_loop3A_117, %parallel_loop3A_130 : i32
        %parallel_loop3A_132 = arith.index_cast %parallel_loop3A_131 : i32 to index
        %parallel_loop3A_133 = tpu.vector_load %arg13[%parallel_loop3A_132] {strides = array<i32>} : memref<25600xf32, #tpu.memory_space<vmem>>, vector<16xf32>,
        tpu.vector_store %arg13[%parallel_loop3A_132], %parallel_loop3A_129 {strides = array<i32>} : memref<25600xf32, #tpu.memory_space<vmem>>, vector<16xf32>,
        %parallel_loop3A_134 = arith.constant 32 : i32
        %parallel_loop3A_135 = arith.addi %parallel_loop3A_115, %parallel_loop3A_134 : i32
        %parallel_loop3A_136 = arith.index_cast %parallel_loop3A_135 : i32 to index
        %parallel_loop3A_137 = tpu.vector_load %arg12[%parallel_loop3A_136] {strides = array<i32>} : memref<7680xf32, #tpu.memory_space<vmem>>, vector<16xf32>,
        %parallel_loop3A_138 = arith.constant 32 : i32
        %parallel_loop3A_139 = arith.addi %parallel_loop3A_117, %parallel_loop3A_138 : i32
        %parallel_loop3A_140 = arith.index_cast %parallel_loop3A_139 : i32 to index
        %parallel_loop3A_141 = tpu.vector_load %arg13[%parallel_loop3A_140] {strides = array<i32>} : memref<25600xf32, #tpu.memory_space<vmem>>, vector<16xf32>,
        tpu.vector_store %arg13[%parallel_loop3A_140], %parallel_loop3A_137 {strides = array<i32>} : memref<25600xf32, #tpu.memory_space<vmem>>, vector<16xf32>,
        %parallel_loop3A_142 = arith.constant 48 : i32
        %parallel_loop3A_143 = arith.addi %parallel_loop3A_115, %parallel_loop3A_142 : i32
        %parallel_loop3A_144 = arith.index_cast %parallel_loop3A_143 : i32 to index
        %parallel_loop3A_145 = tpu.vector_load %arg12[%parallel_loop3A_144] {strides = array<i32>} : memref<7680xf32, #tpu.memory_space<vmem>>, vector<16xf32>,
        %parallel_loop3A_146 = arith.constant 48 : i32
        %parallel_loop3A_147 = arith.addi %parallel_loop3A_117, %parallel_loop3A_146 : i32
        %parallel_loop3A_148 = arith.index_cast %parallel_loop3A_147 : i32 to index
        %parallel_loop3A_149 = tpu.vector_load %arg13[%parallel_loop3A_148] {strides = array<i32>} : memref<25600xf32, #tpu.memory_space<vmem>>, vector<16xf32>,
        tpu.vector_store %arg13[%parallel_loop3A_148], %parallel_loop3A_145 {strides = array<i32>} : memref<25600xf32, #tpu.memory_space<vmem>>, vector<16xf32>,
        %parallel_loop3A_150 = arith.constant 64 : i32
        %parallel_loop3A_151 = arith.addi %parallel_loop3A_115, %parallel_loop3A_150 : i32
        %parallel_loop3A_152 = arith.index_cast %parallel_loop3A_151 : i32 to index
        %parallel_loop3A_153 = tpu.vector_load %arg12[%parallel_loop3A_152] {strides = array<i32>} : memref<7680xf32, #tpu.memory_space<vmem>>, vector<16xf32>,
        %parallel_loop3A_154 = arith.constant 64 : i32
        %parallel_loop3A_155 = arith.addi %parallel_loop3A_117, %parallel_loop3A_154 : i32
        %parallel_loop3A_156 = arith.index_cast %parallel_loop3A_155 : i32 to index
        %parallel_loop3A_157 = tpu.vector_load %arg13[%parallel_loop3A_156] {strides = array<i32>} : memref<25600xf32, #tpu.memory_space<vmem>>, vector<16xf32>,
        tpu.vector_store %arg13[%parallel_loop3A_156], %parallel_loop3A_153 {strides = array<i32>} : memref<25600xf32, #tpu.memory_space<vmem>>, vector<16xf32>,
        %parallel_loop3A_158 = arith.constant 80 : i32
        %parallel_loop3A_159 = arith.addi %parallel_loop3A_115, %parallel_loop3A_158 : i32
        %parallel_loop3A_160 = arith.index_cast %parallel_loop3A_159 : i32 to index
        %parallel_loop3A_161 = tpu.vector_load %arg12[%parallel_loop3A_160] {strides = array<i32>} : memref<7680xf32, #tpu.memory_space<vmem>>, vector<16xf32>,
        %parallel_loop3A_162 = arith.constant 80 : i32
        %parallel_loop3A_163 = arith.addi %parallel_loop3A_117, %parallel_loop3A_162 : i32
        %parallel_loop3A_164 = arith.index_cast %parallel_loop3A_163 : i32 to index
        %parallel_loop3A_165 = tpu.vector_load %arg13[%parallel_loop3A_164] {strides = array<i32>} : memref<25600xf32, #tpu.memory_space<vmem>>, vector<16xf32>,
        tpu.vector_store %arg13[%parallel_loop3A_164], %parallel_loop3A_161 {strides = array<i32>} : memref<25600xf32, #tpu.memory_space<vmem>>, vector<16xf32>,
        %parallel_loop3A_166 = arith.constant 96 : i32
        %parallel_loop3A_167 = arith.addi %parallel_loop3A_115, %parallel_loop3A_166 : i32
        %parallel_loop3A_168 = arith.index_cast %parallel_loop3A_167 : i32 to index
        %parallel_loop3A_169 = tpu.vector_load %arg12[%parallel_loop3A_168] {strides = array<i32>} : memref<7680xf32, #tpu.memory_space<vmem>>, vector<16xf32>,
        %parallel_loop3A_170 = arith.constant 96 : i32
        %parallel_loop3A_171 = arith.addi %parallel_loop3A_117, %parallel_loop3A_170 : i32
        %parallel_loop3A_172 = arith.index_cast %parallel_loop3A_171 : i32 to index
        %parallel_loop3A_173 = tpu.vector_load %arg13[%parallel_loop3A_172] {strides = array<i32>} : memref<25600xf32, #tpu.memory_space<vmem>>, vector<16xf32>,
        tpu.vector_store %arg13[%parallel_loop3A_172], %parallel_loop3A_169 {strides = array<i32>} : memref<25600xf32, #tpu.memory_space<vmem>>, vector<16xf32>,
        %parallel_loop3A_174 = arith.constant 112 : i32
        %parallel_loop3A_175 = arith.addi %parallel_loop3A_115, %parallel_loop3A_174 : i32
        %parallel_loop3A_176 = arith.index_cast %parallel_loop3A_175 : i32 to index
        %parallel_loop3A_177 = tpu.vector_load %arg12[%parallel_loop3A_176] {strides = array<i32>} : memref<7680xf32, #tpu.memory_space<vmem>>, vector<16xf32>,
        %parallel_loop3A_178 = arith.constant 112 : i32
        %parallel_loop3A_179 = arith.addi %parallel_loop3A_117, %parallel_loop3A_178 : i32
        %parallel_loop3A_180 = arith.index_cast %parallel_loop3A_179 : i32 to index
        %parallel_loop3A_181 = tpu.vector_load %arg13[%parallel_loop3A_180] {strides = array<i32>} : memref<25600xf32, #tpu.memory_space<vmem>>, vector<16xf32>,
        tpu.vector_store %arg13[%parallel_loop3A_180], %parallel_loop3A_177 {strides = array<i32>} : memref<25600xf32, #tpu.memory_space<vmem>>, vector<16xf32>,
      } {sc.loop_unroll_factor = 4 : i64, sc.parallel_access}
      %mul3A_80 = arith.constant 25600 : i32
      %mul3A_81 = arith.muli %add3A_62, %mul3A_80 : i32
      %add3A_82 = arith.addi %mul3A_4, %mul3A_81 : i32
      %dma_start3A_83 = tpu.memref_slice %arg6[%add3A_82] : memref<40960000xf32, #tpu.memory_space<hbm>> -> memref<25600xf32, #tpu.memory_space<hbm>>
      %dma_start3A_84 = tpu.memref_slice %arg6[%add3A_82] : memref<40960000xf32, #tpu.memory_space<hbm>> -> memref<25600xf32, #tpu.memory_space<hbm>>
      tpu.enqueue_dma source(%arg13 : memref<25600xf32, #tpu.memory_space<vmem>>) target(%dma_start3A_84 : memref<25600xf32, #tpu.memory_space<hbm>>) target_semaphore(%arg19 : memref<!tpu.dma_semaphore, #tpu.memory_space<semaphore_mem>>)
      %add3A_85 = arith.constant 1 : i32
      %add3A_86 = arith.addi %add3A_62, %add3A_85 : i32
      %sub3A_87 = arith.constant 2 : i32
      %sub3A_88 = arith.subi %add3A_86, %sub3A_87 : i32
      %mul3A_89 = arith.constant 25600 : i32
      %mul3A_90 = arith.muli %sub3A_88, %mul3A_89 : i32
      %add3A_91 = arith.addi %mul3A_4, %mul3A_90 : i32
      %dma_wait3A_92 = tpu.memref_slice %arg6[%add3A_91] : memref<40960000xf32, #tpu.memory_space<hbm>> -> memref<25600xf32, #tpu.memory_space<hbm>>
      %dma_wait3A_93 = tpu.memref_slice %arg6[%add3A_91] : memref<40960000xf32, #tpu.memory_space<hbm>> -> memref<25600xf32, #tpu.memory_space<hbm>>
      tpu.wait_dma2 semaphore(%arg20 : memref<!tpu.dma_semaphore, #tpu.memory_space<semaphore_mem>>) src(%arg14 : memref<25600xf32, #tpu.memory_space<vmem>>) dst(%dma_wait3A_93 : memref<25600xf32, #tpu.memory_space<hbm>>)
      %mul3A_94 = arith.constant 200 : i32
      %mul3A_95 = arith.muli %add3A_86, %mul3A_94 : i32
      %add3A_96 = arith.addi %mul3A_6, %mul3A_95 : i32
      %dma_wait3A_97 = tpu.memref_slice %arg7[%add3A_96] : memref<160000xi32, #tpu.memory_space<vmem_shared>> -> memref<200xi32, #tpu.memory_space<vmem_shared>>
      tpu.wait_dma2 semaphore(%arg18 : memref<!tpu.dma_semaphore, #tpu.memory_space<semaphore_mem>>) src(%dma_wait3A_97 : memref<200xi32, #tpu.memory_space<vmem_shared>>) dst(%arg16 : memref<200xi32, #tpu.memory_space<smem>>)
      %add3A_98 = arith.constant 1 : i32
      %add3A_99 = arith.addi %add3A_86, %add3A_98 : i32
      %lt3A_100 = arith.constant 50 : i32
      %lt3A_101 = arith.cmpi slt, %add3A_99, %lt3A_100 : i32
      %convert_element_type3A_102 = arith.extui %lt3A_101 : i1 to i32
      %cond3A_103 = arith.constant 0 : i32
      %cond3A_104 = arith.cmpi ne, %convert_element_type3A_102, %cond3A_103 : i32
      scf.if %cond3A_104 {
        %add3A_113 = arith.constant 1 : i32
        %add3A_114 = arith.addi %add3A_86, %add3A_113 : i32
        %mul3A_115 = arith.constant 200 : i32
        %mul3A_116 = arith.muli %add3A_114, %mul3A_115 : i32
        %add3A_117 = arith.addi %mul3A_6, %mul3A_116 : i32
        %dma_start3A_118 = tpu.memref_slice %arg7[%add3A_117] : memref<160000xi32, #tpu.memory_space<vmem_shared>> -> memref<200xi32, #tpu.memory_space<vmem_shared>>
        tpu.enqueue_dma source(%dma_start3A_118 : memref<200xi32, #tpu.memory_space<vmem_shared>>) target(%arg15 : memref<200xi32, #tpu.memory_space<smem>>) target_semaphore(%arg17 : memref<!tpu.dma_semaphore, #tpu.memory_space<semaphore_mem>>)
      } else {
      }
      %parallel_loop3A_105 = arith.constant 0 : i32
      %parallel_loop3A_106 = arith.constant 200 : i32
      %parallel_loop3A_107 = arith.constant 1 : i32
      scf.for %parallel_loop3A_113 = %parallel_loop3A_105 to %parallel_loop3A_106 step %parallel_loop3A_107  : i32 {
        %parallel_loop3A_114 = arith.index_cast %parallel_loop3A_113 : i32 to index
        %parallel_loop3A_115 = memref.load %arg16[%parallel_loop3A_114] : memref<200xi32, #tpu.memory_space<smem>>
        %parallel_loop3A_116 = arith.constant 128 : i32
        %parallel_loop3A_117 = arith.muli %parallel_loop3A_113, %parallel_loop3A_116 : i32
        %parallel_loop3A_118 = arith.constant 0 : i32
        %parallel_loop3A_119 = arith.addi %parallel_loop3A_115, %parallel_loop3A_118 : i32
        %parallel_loop3A_120 = arith.index_cast %parallel_loop3A_119 : i32 to index
        %parallel_loop3A_121 = tpu.vector_load %arg12[%parallel_loop3A_120] {strides = array<i32>} : memref<7680xf32, #tpu.memory_space<vmem>>, vector<16xf32>,
        %parallel_loop3A_122 = arith.constant 0 : i32
        %parallel_loop3A_123 = arith.addi %parallel_loop3A_117, %parallel_loop3A_122 : i32
        %parallel_loop3A_124 = arith.index_cast %parallel_loop3A_123 : i32 to index
        %parallel_loop3A_125 = tpu.vector_load %arg14[%parallel_loop3A_124] {strides = array<i32>} : memref<25600xf32, #tpu.memory_space<vmem>>, vector<16xf32>,
        tpu.vector_store %arg14[%parallel_loop3A_124], %parallel_loop3A_121 {strides = array<i32>} : memref<25600xf32, #tpu.memory_space<vmem>>, vector<16xf32>,
        %parallel_loop3A_126 = arith.constant 16 : i32
        %parallel_loop3A_127 = arith.addi %parallel_loop3A_115, %parallel_loop3A_126 : i32
        %parallel_loop3A_128 = arith.index_cast %parallel_loop3A_127 : i32 to index
        %parallel_loop3A_129 = tpu.vector_load %arg12[%parallel_loop3A_128] {strides = array<i32>} : memref<7680xf32, #tpu.memory_space<vmem>>, vector<16xf32>,
        %parallel_loop3A_130 = arith.constant 16 : i32
        %parallel_loop3A_131 = arith.addi %parallel_loop3A_117, %parallel_loop3A_130 : i32
        %parallel_loop3A_132 = arith.index_cast %parallel_loop3A_131 : i32 to index
        %parallel_loop3A_133 = tpu.vector_load %arg14[%parallel_loop3A_132] {strides = array<i32>} : memref<25600xf32, #tpu.memory_space<vmem>>, vector<16xf32>,
        tpu.vector_store %arg14[%parallel_loop3A_132], %parallel_loop3A_129 {strides = array<i32>} : memref<25600xf32, #tpu.memory_space<vmem>>, vector<16xf32>,
        %parallel_loop3A_134 = arith.constant 32 : i32
        %parallel_loop3A_135 = arith.addi %parallel_loop3A_115, %parallel_loop3A_134 : i32
        %parallel_loop3A_136 = arith.index_cast %parallel_loop3A_135 : i32 to index
        %parallel_loop3A_137 = tpu.vector_load %arg12[%parallel_loop3A_136] {strides = array<i32>} : memref<7680xf32, #tpu.memory_space<vmem>>, vector<16xf32>,
        %parallel_loop3A_138 = arith.constant 32 : i32
        %parallel_loop3A_139 = arith.addi %parallel_loop3A_117, %parallel_loop3A_138 : i32
        %parallel_loop3A_140 = arith.index_cast %parallel_loop3A_139 : i32 to index
        %parallel_loop3A_141 = tpu.vector_load %arg14[%parallel_loop3A_140] {strides = array<i32>} : memref<25600xf32, #tpu.memory_space<vmem>>, vector<16xf32>,
        tpu.vector_store %arg14[%parallel_loop3A_140], %parallel_loop3A_137 {strides = array<i32>} : memref<25600xf32, #tpu.memory_space<vmem>>, vector<16xf32>,
        %parallel_loop3A_142 = arith.constant 48 : i32
        %parallel_loop3A_143 = arith.addi %parallel_loop3A_115, %parallel_loop3A_142 : i32
        %parallel_loop3A_144 = arith.index_cast %parallel_loop3A_143 : i32 to index
        %parallel_loop3A_145 = tpu.vector_load %arg12[%parallel_loop3A_144] {strides = array<i32>} : memref<7680xf32, #tpu.memory_space<vmem>>, vector<16xf32>,
        %parallel_loop3A_146 = arith.constant 48 : i32
        %parallel_loop3A_147 = arith.addi %parallel_loop3A_117, %parallel_loop3A_146 : i32
        %parallel_loop3A_148 = arith.index_cast %parallel_loop3A_147 : i32 to index
        %parallel_loop3A_149 = tpu.vector_load %arg14[%parallel_loop3A_148] {strides = array<i32>} : memref<25600xf32, #tpu.memory_space<vmem>>, vector<16xf32>,
        tpu.vector_store %arg14[%parallel_loop3A_148], %parallel_loop3A_145 {strides = array<i32>} : memref<25600xf32, #tpu.memory_space<vmem>>, vector<16xf32>,
        %parallel_loop3A_150 = arith.constant 64 : i32
        %parallel_loop3A_151 = arith.addi %parallel_loop3A_115, %parallel_loop3A_150 : i32
        %parallel_loop3A_152 = arith.index_cast %parallel_loop3A_151 : i32 to index
        %parallel_loop3A_153 = tpu.vector_load %arg12[%parallel_loop3A_152] {strides = array<i32>} : memref<7680xf32, #tpu.memory_space<vmem>>, vector<16xf32>,
        %parallel_loop3A_154 = arith.constant 64 : i32
        %parallel_loop3A_155 = arith.addi %parallel_loop3A_117, %parallel_loop3A_154 : i32
        %parallel_loop3A_156 = arith.index_cast %parallel_loop3A_155 : i32 to index
        %parallel_loop3A_157 = tpu.vector_load %arg14[%parallel_loop3A_156] {strides = array<i32>} : memref<25600xf32, #tpu.memory_space<vmem>>, vector<16xf32>,
        tpu.vector_store %arg14[%parallel_loop3A_156], %parallel_loop3A_153 {strides = array<i32>} : memref<25600xf32, #tpu.memory_space<vmem>>, vector<16xf32>,
        %parallel_loop3A_158 = arith.constant 80 : i32
        %parallel_loop3A_159 = arith.addi %parallel_loop3A_115, %parallel_loop3A_158 : i32
        %parallel_loop3A_160 = arith.index_cast %parallel_loop3A_159 : i32 to index
        %parallel_loop3A_161 = tpu.vector_load %arg12[%parallel_loop3A_160] {strides = array<i32>} : memref<7680xf32, #tpu.memory_space<vmem>>, vector<16xf32>,
        %parallel_loop3A_162 = arith.constant 80 : i32
        %parallel_loop3A_163 = arith.addi %parallel_loop3A_117, %parallel_loop3A_162 : i32
        %parallel_loop3A_164 = arith.index_cast %parallel_loop3A_163 : i32 to index
        %parallel_loop3A_165 = tpu.vector_load %arg14[%parallel_loop3A_164] {strides = array<i32>} : memref<25600xf32, #tpu.memory_space<vmem>>, vector<16xf32>,
        tpu.vector_store %arg14[%parallel_loop3A_164], %parallel_loop3A_161 {strides = array<i32>} : memref<25600xf32, #tpu.memory_space<vmem>>, vector<16xf32>,
        %parallel_loop3A_166 = arith.constant 96 : i32
        %parallel_loop3A_167 = arith.addi %parallel_loop3A_115, %parallel_loop3A_166 : i32
        %parallel_loop3A_168 = arith.index_cast %parallel_loop3A_167 : i32 to index
        %parallel_loop3A_169 = tpu.vector_load %arg12[%parallel_loop3A_168] {strides = array<i32>} : memref<7680xf32, #tpu.memory_space<vmem>>, vector<16xf32>,
        %parallel_loop3A_170 = arith.constant 96 : i32
        %parallel_loop3A_171 = arith.addi %parallel_loop3A_117, %parallel_loop3A_170 : i32
        %parallel_loop3A_172 = arith.index_cast %parallel_loop3A_171 : i32 to index
        %parallel_loop3A_173 = tpu.vector_load %arg14[%parallel_loop3A_172] {strides = array<i32>} : memref<25600xf32, #tpu.memory_space<vmem>>, vector<16xf32>,
        tpu.vector_store %arg14[%parallel_loop3A_172], %parallel_loop3A_169 {strides = array<i32>} : memref<25600xf32, #tpu.memory_space<vmem>>, vector<16xf32>,
        %parallel_loop3A_174 = arith.constant 112 : i32
        %parallel_loop3A_175 = arith.addi %parallel_loop3A_115, %parallel_loop3A_174 : i32
        %parallel_loop3A_176 = arith.index_cast %parallel_loop3A_175 : i32 to index
        %parallel_loop3A_177 = tpu.vector_load %arg12[%parallel_loop3A_176] {strides = array<i32>} : memref<7680xf32, #tpu.memory_space<vmem>>, vector<16xf32>,
        %parallel_loop3A_178 = arith.constant 112 : i32
        %parallel_loop3A_179 = arith.addi %parallel_loop3A_117, %parallel_loop3A_178 : i32
        %parallel_loop3A_180 = arith.index_cast %parallel_loop3A_179 : i32 to index
        %parallel_loop3A_181 = tpu.vector_load %arg14[%parallel_loop3A_180] {strides = array<i32>} : memref<25600xf32, #tpu.memory_space<vmem>>, vector<16xf32>,
        tpu.vector_store %arg14[%parallel_loop3A_180], %parallel_loop3A_177 {strides = array<i32>} : memref<25600xf32, #tpu.memory_space<vmem>>, vector<16xf32>,
      } {sc.loop_unroll_factor = 4 : i64, sc.parallel_access}
      %mul3A_108 = arith.constant 25600 : i32
      %mul3A_109 = arith.muli %add3A_86, %mul3A_108 : i32
      %add3A_110 = arith.addi %mul3A_4, %mul3A_109 : i32
      %dma_start3A_111 = tpu.memref_slice %arg6[%add3A_110] : memref<40960000xf32, #tpu.memory_space<hbm>> -> memref<25600xf32, #tpu.memory_space<hbm>>
      %dma_start3A_112 = tpu.memref_slice %arg6[%add3A_110] : memref<40960000xf32, #tpu.memory_space<hbm>> -> memref<25600xf32, #tpu.memory_space<hbm>>
      tpu.enqueue_dma source(%arg14 : memref<25600xf32, #tpu.memory_space<vmem>>) target(%dma_start3A_112 : memref<25600xf32, #tpu.memory_space<hbm>>) target_semaphore(%arg20 : memref<!tpu.dma_semaphore, #tpu.memory_space<semaphore_mem>>)
    }
    %scan3A_49 = arith.constant 24 : i32
    %add3A_50 = arith.constant 1228800 : i32
    %add3A_51 = arith.addi %mul3A_4, %add3A_50 : i32
    %dma_wait3A_52 = tpu.memref_slice %arg6[%add3A_51] : memref<40960000xf32, #tpu.memory_space<hbm>> -> memref<25600xf32, #tpu.memory_space<hbm>>
    %dma_wait3A_53 = tpu.memref_slice %arg6[%add3A_51] : memref<40960000xf32, #tpu.memory_space<hbm>> -> memref<25600xf32, #tpu.memory_space<hbm>>
    tpu.wait_dma2 semaphore(%arg19 : memref<!tpu.dma_semaphore, #tpu.memory_space<semaphore_mem>>) src(%arg13 : memref<25600xf32, #tpu.memory_space<vmem>>) dst(%dma_wait3A_53 : memref<25600xf32, #tpu.memory_space<hbm>>)
    %add3A_54 = arith.constant 1254400 : i32
    %add3A_55 = arith.addi %mul3A_4, %add3A_54 : i32
    %dma_wait3A_56 = tpu.memref_slice %arg6[%add3A_55] : memref<40960000xf32, #tpu.memory_space<hbm>> -> memref<25600xf32, #tpu.memory_space<hbm>>
    %dma_wait3A_57 = tpu.memref_slice %arg6[%add3A_55] : memref<40960000xf32, #tpu.memory_space<hbm>> -> memref<25600xf32, #tpu.memory_space<hbm>>
    tpu.wait_dma2 semaphore(%arg20 : memref<!tpu.dma_semaphore, #tpu.memory_space<semaphore_mem>>) src(%arg14 : memref<25600xf32, #tpu.memory_space<vmem>>) dst(%dma_wait3A_57 : memref<25600xf32, #tpu.memory_space<hbm>>)
    return
  }
}

module attributes {stable_mosaic.version = 14 : i64} {
  func.func @_lut_body(%arg0: memref<5x128xf32, #tpu.memory_space<vmem>>, %arg1: memref<6x128xf32, #tpu.memory_space<vmem>>, %arg2: memref<2x128xf32, #tpu.memory_space<vmem>>, %arg3: memref<60x128xf32, #tpu.memory_space<vmem>>) attributes {dimension_semantics = [], scalar_prefetch = 0 : i64, scratch_operands = 0 : i64, tpu.core_type = #tpu.core_type<tc>} {
    %iota3A = tpu.iota {dimensions = array<i32: 0>} : vector<60x5xi32>
    %iota3A_0 = tpu.iota {dimensions = array<i32: 1>} : vector<60x5xi32>
    %jit3A = arith.constant 12 : i32
    %div3A = vector.broadcast %jit3A : i32 to vector<60x5xi32>
    %div3A_1 = arith.divsi %iota3A, %div3A : vector<60x5xi32>
    %sign3A = arith.constant 0 : i32
    %sign3A_2 = vector.broadcast %sign3A : i32 to vector<60x5xi32>
    %sign3A_3 = arith.cmpi sgt, %iota3A, %sign3A_2 : vector<60x5xi32>
    %sign3A_4 = arith.extui %sign3A_3 : vector<60x5xi1> to vector<60x5xi32>
    %sign3A_5 = arith.constant 0 : i32
    %sign3A_6 = vector.broadcast %sign3A_5 : i32 to vector<60x5xi32>
    %sign3A_7 = arith.cmpi slt, %iota3A, %sign3A_6 : vector<60x5xi32>
    %sign3A_8 = arith.extui %sign3A_7 : vector<60x5xi1> to vector<60x5xi32>
    %sign3A_9 = arith.subi %sign3A_4, %sign3A_8 : vector<60x5xi32>
    %sign3A_10 = arith.constant 0 : i32
    %sign3A_11 = arith.cmpi sgt, %jit3A, %sign3A_10 : i32
    %sign3A_12 = arith.extui %sign3A_11 : i1 to i32
    %sign3A_13 = arith.constant 0 : i32
    %sign3A_14 = arith.cmpi slt, %jit3A, %sign3A_13 : i32
    %sign3A_15 = arith.extui %sign3A_14 : i1 to i32
    %sign3A_16 = arith.subi %sign3A_12, %sign3A_15 : i32
    %ne3A = vector.broadcast %sign3A_16 : i32 to vector<60x5xi32>
    %ne3A_17 = arith.cmpi ne, %sign3A_9, %ne3A : vector<60x5xi32>
    %rem3A = vector.broadcast %jit3A : i32 to vector<60x5xi32>
    %rem3A_18 = arith.remsi %iota3A, %rem3A : vector<60x5xi32>
    %ne3A_19 = arith.constant 0 : i32
    %ne3A_20 = vector.broadcast %ne3A_19 : i32 to vector<60x5xi32>
    %ne3A_21 = arith.cmpi ne, %rem3A_18, %ne3A_20 : vector<60x5xi32>
    %and3A = arith.andi %ne3A_17, %ne3A_21 : vector<60x5xi1>
    %sub3A = arith.constant 1 : i32
    %sub3A_22 = vector.broadcast %sub3A : i32 to vector<60x5xi32>
    %sub3A_23 = arith.subi %div3A_1, %sub3A_22 : vector<60x5xi32>
    %select_n3A = arith.select %and3A, %sub3A_23, %div3A_1 : vector<60x5xi1>, vector<60x5xi32>
    %eq3A = arith.cmpi eq, %select_n3A, %iota3A_0 : vector<60x5xi32>
    %convert_element_type3A = arith.extui %eq3A : vector<60x5xi1> to vector<60x5xi32>
    %convert_element_type3A_24 = arith.sitofp %convert_element_type3A : vector<60x5xi32> to vector<60x5xf32>
    %iota3A_25 = tpu.iota {dimensions = array<i32: 0>} : vector<60x6xi32>
    %iota3A_26 = tpu.iota {dimensions = array<i32: 1>} : vector<60x6xi32>
    %jit3A_27 = arith.constant 2 : i32
    %div3A_28 = vector.broadcast %jit3A_27 : i32 to vector<60x6xi32>
    %div3A_29 = arith.divsi %iota3A_25, %div3A_28 : vector<60x6xi32>
    %sign3A_30 = arith.constant 0 : i32
    %sign3A_31 = vector.broadcast %sign3A_30 : i32 to vector<60x6xi32>
    %sign3A_32 = arith.cmpi sgt, %iota3A_25, %sign3A_31 : vector<60x6xi32>
    %sign3A_33 = arith.extui %sign3A_32 : vector<60x6xi1> to vector<60x6xi32>
    %sign3A_34 = arith.constant 0 : i32
    %sign3A_35 = vector.broadcast %sign3A_34 : i32 to vector<60x6xi32>
    %sign3A_36 = arith.cmpi slt, %iota3A_25, %sign3A_35 : vector<60x6xi32>
    %sign3A_37 = arith.extui %sign3A_36 : vector<60x6xi1> to vector<60x6xi32>
    %sign3A_38 = arith.subi %sign3A_33, %sign3A_37 : vector<60x6xi32>
    %sign3A_39 = arith.constant 0 : i32
    %sign3A_40 = arith.cmpi sgt, %jit3A_27, %sign3A_39 : i32
    %sign3A_41 = arith.extui %sign3A_40 : i1 to i32
    %sign3A_42 = arith.constant 0 : i32
    %sign3A_43 = arith.cmpi slt, %jit3A_27, %sign3A_42 : i32
    %sign3A_44 = arith.extui %sign3A_43 : i1 to i32
    %sign3A_45 = arith.subi %sign3A_41, %sign3A_44 : i32
    %ne3A_46 = vector.broadcast %sign3A_45 : i32 to vector<60x6xi32>
    %ne3A_47 = arith.cmpi ne, %sign3A_38, %ne3A_46 : vector<60x6xi32>
    %rem3A_48 = vector.broadcast %jit3A_27 : i32 to vector<60x6xi32>
    %rem3A_49 = arith.remsi %iota3A_25, %rem3A_48 : vector<60x6xi32>
    %ne3A_50 = arith.constant 0 : i32
    %ne3A_51 = vector.broadcast %ne3A_50 : i32 to vector<60x6xi32>
    %ne3A_52 = arith.cmpi ne, %rem3A_49, %ne3A_51 : vector<60x6xi32>
    %and3A_53 = arith.andi %ne3A_47, %ne3A_52 : vector<60x6xi1>
    %sub3A_54 = arith.constant 1 : i32
    %sub3A_55 = vector.broadcast %sub3A_54 : i32 to vector<60x6xi32>
    %sub3A_56 = arith.subi %div3A_29, %sub3A_55 : vector<60x6xi32>
    %select_n3A_57 = arith.select %and3A_53, %sub3A_56, %div3A_29 : vector<60x6xi1>, vector<60x6xi32>
    %jit3A_58 = arith.constant 6 : i32
    %eq3A_59 = arith.constant 0 : i32
    %eq3A_60 = arith.cmpi eq, %jit3A_58, %eq3A_59 : i32
    %jit3A_61 = arith.constant 1 : i32
    %select_n3A_62 = arith.select %eq3A_60, %jit3A_61, %jit3A_58 : i32
    %rem3A_63 = vector.broadcast %select_n3A_62 : i32 to vector<60x6xi32>
    %rem3A_64 = arith.remsi %select_n3A_57, %rem3A_63 : vector<60x6xi32>
    %ne3A_65 = arith.constant 0 : i32
    %ne3A_66 = vector.broadcast %ne3A_65 : i32 to vector<60x6xi32>
    %ne3A_67 = arith.cmpi ne, %rem3A_64, %ne3A_66 : vector<60x6xi32>
    %lt3A = arith.constant 0 : i32
    %lt3A_68 = vector.broadcast %lt3A : i32 to vector<60x6xi32>
    %lt3A_69 = arith.cmpi slt, %rem3A_64, %lt3A_68 : vector<60x6xi32>
    %lt3A_70 = arith.constant 0 : i32
    %lt3A_71 = arith.cmpi slt, %select_n3A_62, %lt3A_70 : i32
    %ne3A_72 = vector.broadcast %lt3A_71 : i1 to vector<60x6xi1>
    %ne3A_73 = vector.broadcast %ne3A_72 : vector<60x6xi1> to vector<60x6xi1>
    %ne3A_74 = arith.xori %lt3A_69, %ne3A_73 : vector<60x6xi1>
    %and3A_75 = arith.andi %ne3A_74, %ne3A_67 : vector<60x6xi1>
    %add3A = vector.broadcast %select_n3A_62 : i32 to vector<60x6xi32>
    %add3A_76 = arith.addi %rem3A_64, %add3A : vector<60x6xi32>
    %select_n3A_77 = arith.select %and3A_75, %add3A_76, %rem3A_64 : vector<60x6xi1>, vector<60x6xi32>
    %eq3A_78 = arith.cmpi eq, %select_n3A_77, %iota3A_26 : vector<60x6xi32>
    %convert_element_type3A_79 = arith.extui %eq3A_78 : vector<60x6xi1> to vector<60x6xi32>
    %convert_element_type3A_80 = arith.sitofp %convert_element_type3A_79 : vector<60x6xi32> to vector<60x6xf32>
    %iota3A_81 = tpu.iota {dimensions = array<i32: 0>} : vector<60x2xi32>
    %iota3A_82 = tpu.iota {dimensions = array<i32: 1>} : vector<60x2xi32>
    %jit3A_83 = arith.constant 2 : i32
    %eq3A_84 = arith.constant 0 : i32
    %eq3A_85 = arith.cmpi eq, %jit3A_83, %eq3A_84 : i32
    %jit3A_86 = arith.constant 1 : i32
    %select_n3A_87 = arith.select %eq3A_85, %jit3A_86, %jit3A_83 : i32
    %rem3A_88 = vector.broadcast %select_n3A_87 : i32 to vector<60x2xi32>
    %rem3A_89 = arith.remsi %iota3A_81, %rem3A_88 : vector<60x2xi32>
    %ne3A_90 = arith.constant 0 : i32
    %ne3A_91 = vector.broadcast %ne3A_90 : i32 to vector<60x2xi32>
    %ne3A_92 = arith.cmpi ne, %rem3A_89, %ne3A_91 : vector<60x2xi32>
    %lt3A_93 = arith.constant 0 : i32
    %lt3A_94 = vector.broadcast %lt3A_93 : i32 to vector<60x2xi32>
    %lt3A_95 = arith.cmpi slt, %rem3A_89, %lt3A_94 : vector<60x2xi32>
    %lt3A_96 = arith.constant 0 : i32
    %lt3A_97 = arith.cmpi slt, %select_n3A_87, %lt3A_96 : i32
    %ne3A_98 = vector.broadcast %lt3A_97 : i1 to vector<60x2xi1>
    %ne3A_99 = vector.broadcast %ne3A_98 : vector<60x2xi1> to vector<60x2xi1>
    %ne3A_100 = arith.xori %lt3A_95, %ne3A_99 : vector<60x2xi1>
    %and3A_101 = arith.andi %ne3A_100, %ne3A_92 : vector<60x2xi1>
    %add3A_102 = vector.broadcast %select_n3A_87 : i32 to vector<60x2xi32>
    %add3A_103 = arith.addi %rem3A_89, %add3A_102 : vector<60x2xi32>
    %select_n3A_104 = arith.select %and3A_101, %add3A_103, %rem3A_89 : vector<60x2xi1>, vector<60x2xi32>
    %eq3A_105 = arith.cmpi eq, %select_n3A_104, %iota3A_82 : vector<60x2xi32>
    %convert_element_type3A_106 = arith.extui %eq3A_105 : vector<60x2xi1> to vector<60x2xi32>
    %convert_element_type3A_107 = arith.sitofp %convert_element_type3A_106 : vector<60x2xi32> to vector<60x2xf32>
    %get3A = arith.constant 0 : index
    %get3A_108 = arith.constant 0 : index
    %get3A_109 = vector.load %arg0[%get3A, %get3A_108] : memref<5x128xf32, #tpu.memory_space<vmem>>, vector<5x128xf32>
    %dot_general3A = arith.constant dense<0.000000e+00> : vector<60x128xf32>
    %dot_general3A_110 = tpu.matmul %convert_element_type3A_24, %get3A_109, %dot_general3A {dimension_numbers = #tpu.dot_dimension_numbers<[1], [0], [0], [1], [0, 0, 1, 1], [], []>, transpose_lhs_hint = false} : vector<60x5xf32>, vector<5x128xf32>, vector<60x128xf32> -> vector<60x128xf32>
    %get3A_111 = arith.constant 0 : index
    %get3A_112 = arith.constant 0 : index
    %get3A_113 = vector.load %arg1[%get3A_111, %get3A_112] : memref<6x128xf32, #tpu.memory_space<vmem>>, vector<6x128xf32>
    %dot_general3A_114 = arith.constant dense<0.000000e+00> : vector<60x128xf32>
    %dot_general3A_115 = tpu.matmul %convert_element_type3A_80, %get3A_113, %dot_general3A_114 {dimension_numbers = #tpu.dot_dimension_numbers<[1], [0], [0], [1], [0, 0, 1, 1], [], []>, transpose_lhs_hint = false} : vector<60x6xf32>, vector<6x128xf32>, vector<60x128xf32> -> vector<60x128xf32>
    %add3A_116 = arith.addf %dot_general3A_110, %dot_general3A_115 : vector<60x128xf32>
    %get3A_117 = arith.constant 0 : index
    %get3A_118 = arith.constant 0 : index
    %get3A_119 = vector.load %arg2[%get3A_117, %get3A_118] : memref<2x128xf32, #tpu.memory_space<vmem>>, vector<2x128xf32>
    %dot_general3A_120 = arith.constant dense<0.000000e+00> : vector<60x128xf32>
    %dot_general3A_121 = tpu.matmul %convert_element_type3A_107, %get3A_119, %dot_general3A_120 {dimension_numbers = #tpu.dot_dimension_numbers<[1], [0], [0], [1], [0, 0, 1, 1], [], []>, transpose_lhs_hint = false} : vector<60x2xf32>, vector<2x128xf32>, vector<60x128xf32> -> vector<60x128xf32>
    %add3A_122 = arith.addf %add3A_116, %dot_general3A_121 : vector<60x128xf32>
    %swap3A = arith.constant 0 : index
    %swap3A_123 = arith.constant 0 : index
    %swap3A_124 = vector.load %arg3[%swap3A, %swap3A_123] : memref<60x128xf32, #tpu.memory_space<vmem>>, vector<60x128xf32>
    tpu.vector_store %arg3[%swap3A, %swap3A_123], %add3A_122 {strides = array<i32>} : memref<60x128xf32, #tpu.memory_space<vmem>>, vector<60x128xf32>,
    return
  }
}

</mosaic_0001>

<sc_bundles>
// kernel: kernel.4.cloned.1.call-start
scs
__scs_entry_jumppad:
0x0: {  	(pc) =	sbr.rel $0x88, $3  }
0x1: {  	(tag) =	ssettag $0x0;
	lr =	simm.s32 $0x1  }
0x2: {  	[smem:$0x3F9D] =	sst lr;
	_ =	strace $0xD0000000  }
0x3: {  	_ = 	snop  }
0x4: {  	_ = 	snop  }
0x5: {  	_ = 	snop  }
0x6: {  	_ = 	snop  }
0x7: {  	_ = 	snop  }
__scs_overlays_trampoline_lowered:
0x8: {  	[smem:$0x3FAC] =	sst s0  }
0x9: {  	[smem:$0x3FAD] =	sst s1  }
0xa: {  	[smem:$0x3FAE] =	sst s2  }
0xb: {  	[smem:$0x3FAF] =	sst s3  }
0xc: {  	[smem:$0x3FB0] =	sst s4  }
0xd: {  	[smem:$0x3FB1] =	sst s5  }
0xe: {  	[smem:$0x3FB2] =	sst s6  }
0xf: {  	[smem:$0x3FB3] =	sst s7  }
0x10: {  	[smem:$0x3FB4] =	sst s8  }
0x11: {  	[smem:$0x3FB5] =	sst s9;
	s0 =	simm.s32 @!p0 $0x0  }
0x12: {  	s1 =	sld [smem:$0x3F9B];
	s0 =	simm.s32 @p0 $0x1  }
0x13: {  	[smem:$0x3FB6] =	sst s0;
	s0 =	simm.s32 @!p1 $0x0  }
0x14: {  	s2 =	sld [smem:$0x3F9A];
	s0 =	simm.s32 @p1 $0x1  }
0x15: {  	[smem:$0x3FB7] =	sst s0;
	s0 =	simm.s32 @!p2 $0x0  }
0x16: {  	s3 =	sld [smem:$0x3FDB];
	s0 =	simm.s32 @p2 $0x1  }
0x17: {  	s4 =	simm.s32 $0x1BF5;
	[smem:$0x3FB9] =	sst s0  }
0x18: {  	s0 =	sld [smem:$0x3F9C];
	_ =	swait.ge [sflag:s4], $0x0  }
0x19: {  	s7 =	sld [smem:$0x3F9D]  }
0x1a: {  	s8 =	sadd.s32 $0xFFFFE003, lr  }
0x1b: {  	s9 =	sadd.s32 $0xFFFFFEF7, lr;
	s5 =	simm.s32 $0xFFFFFFFF;
	p2 =	slt.u32 s8, $0xFFFFF086  }
0x1c: {  	p1 =	slt.u32 s9, $0xF7A;
	s5 =	simm.s32 @!p2 $0x0  }
0x1d: {  	s5 =	simm.s32 @p1 $0x1;
	p0 =	seq.s32 s7, s2  }
0x1e: {  	s7 =	smul.u32 @!p0 $0xF7A, s2;
	p2 =	seq.s32 @!p0 s5, $0x0  }
0x1f: {  	s9 =	smul.u32 $0xF7A, s1;
	s8 =	simm.s32 @!p0 $0x1BF5;
	p2 =	por !p2, p0  }
0x20: {  	[sflag:s8] =	ssyncset.s32 @!p0 $0xFFFFF086;
	s6 =	sadd.s32 @!p0 s3, s7;
	s7 =	simm.s32 @!p0 $0x108  }
0x21: {  	s3 =	sadd.s32 s3, s9;
	s6 =	sadd.s32 @!p0 $0x88, s6;
	s7 =	simm.s32 @p2 $0x1082  }
0x22: {  	[simem:s7], [sflag:s8] =	dma.local @!p0 [hbm:s6], $0xF7A  }
0x23: {  	s9 =	sor.u32 $0xD0000000, s2;
	s6 =	simm.s32 $0x108;
	_ =	swait.ge @!p0 [sflag:s8], $0x0  }
0x24: {  	s3 =	sadd.s32 $0x88, s3;
	s6 =	simm.s32 @!p1 $0x1082;
	[sflag:s4] =	ssyncset.s32 $0xFFFFF086  }
0x25: {  	[simem:s6], [sflag:s4] =	dma.local [hbm:s3], $0xF7A  }
0x26: {  	[smem:$0x3F9D] =	sst s1;
	(tag) =	ssettag s2;
	_ =	strace s9  }
0x27: {  	s1 =	sld [smem:$0x3FAD]  }
0x28: {  	s2 =	sld [smem:$0x3FAE]  }
0x29: {  	s4 =	sld [smem:$0x3FB0]  }
0x2a: {  	p0 =	seq.s32 s5, $0x0;
	s5 =	sld [smem:$0x3FB1]  }
0x2b: {  	s6 =	sld [smem:$0x3FB2]  }
0x2c: {  	s7 =	sld [smem:$0x3FB3]  }
0x2d: {  	s3 =	simm.s32 $0x108;
	s8 =	sld [smem:$0x3FB4]  }
0x2e: {  	s3 =	simm.s32 @!p0 $0x1082;
	s9 =	sld [smem:$0x3FB5]  }
0x2f: {  	lr =	sadd.s32 s0, s3;
	s0 =	sld [smem:$0x3FAC]  }
0x30: {  	s3 =	sld [smem:$0x3FAF]  }
0x31: {  	[smem:$0x3FB8] =	sst s10  }
0x32: {  	s10 =	sld [smem:$0x3FB6];
	_ =	sdelay $0x3  }
0x33: {  	p0 =	seq.s32 s10, $0x1;
	s10 =	sld [smem:$0x3FB8];
	_ =	sdelay $0x3  }
0x34: {  	[smem:$0x3FB8] =	sst s10  }
0x35: {  	s10 =	sld [smem:$0x3FB7];
	_ =	sdelay $0x3  }
0x36: {  	p1 =	seq.s32 s10, $0x1;
	s10 =	sld [smem:$0x3FB8];
	_ =	sdelay $0x3  }
0x37: {  	[smem:$0x3FB8] =	sst s10  }
0x38: {  	s10 =	sld [smem:$0x3FB9]  }
0x39: {  	_ = 	snop;
	(pc) =	sbr.ind lr, $3  }
0x3a: {  	_ = 	snop  }
0x3b: {  	_ = 	snop  }
0x3c: {  	p2 =	seq.s32 s10, $0x1;
	s10 =	sld [smem:$0x3FB8]  }
0x3d: {  	_ =	shalt  }
0x3e: {  	_ =	shalt  }
0x3f: {  	_ =	shalt  }
0x40: {  	_ =	shalt  }
0x41: {  	_ =	shalt  }
0x42: {  	_ =	shalt  }
0x43: {  	_ =	shalt  }
0x44: {  	_ =	shalt  }
0x45: {  	_ =	shalt  }
0x46: {  	_ =	shalt  }
0x47: {  	_ =	shalt  }
0x48: {  	_ =	shalt  }
0x49: {  	_ =	shalt  }
0x4a: {  	_ =	shalt  }
0x4b: {  	_ =	shalt  }
0x4c: {  	_ =	shalt  }
0x4d: {  	_ =	shalt  }
0x4e: {  	_ =	shalt  }
0x4f: {  	_ =	shalt  }
0x50: {  	_ =	shalt  }
0x51: {  	_ =	shalt  }
0x52: {  	_ =	shalt  }
0x53: {  	_ =	shalt  }
0x54: {  	_ =	shalt  }
0x55: {  	_ =	shalt  }
0x56: {  	_ =	shalt  }
0x57: {  	_ =	shalt  }
0x58: {  	_ =	shalt  }
0x59: {  	_ =	shalt  }
0x5a: {  	_ =	shalt  }
0x5b: {  	_ =	shalt  }
0x5c: {  	_ =	shalt  }
0x5d: {  	_ =	shalt  }
0x5e: {  	_ =	shalt  }
0x5f: {  	_ =	shalt  }
0x60: {  	_ =	shalt  }
0x61: {  	_ =	shalt  }
0x62: {  	_ =	shalt  }
0x63: {  	_ =	shalt  }
0x64: {  	_ =	shalt  }
0x65: {  	_ =	shalt  }
0x66: {  	_ =	shalt  }
0x67: {  	_ =	shalt  }
0x68: {  	_ =	shalt  }
0x69: {  	_ =	shalt  }
0x6a: {  	_ =	shalt  }
0x6b: {  	_ =	shalt  }
0x6c: {  	_ =	shalt  }
0x6d: {  	_ =	shalt  }
0x6e: {  	_ =	shalt  }
0x6f: {  	_ =	shalt  }
0x70: {  	_ =	shalt  }
0x71: {  	_ =	shalt  }
0x72: {  	_ =	shalt  }
0x73: {  	_ =	shalt  }
0x74: {  	_ =	shalt  }
0x75: {  	_ =	shalt  }
0x76: {  	_ =	shalt  }
0x77: {  	_ =	shalt  }
0x78: {  	_ =	shalt  }
0x79: {  	_ =	shalt  }
0x7a: {  	_ =	shalt  }
0x7b: {  	_ =	shalt  }
0x7c: {  	_ =	shalt  }
0x7d: {  	_ =	shalt  }
0x7e: {  	_ =	shalt  }
0x7f: {  	_ =	shalt  }
0x80: {  	_ =	shalt  }
0x81: {  	_ =	shalt  }
0x82: {  	_ =	shalt  }
0x83: {  	_ =	shalt  }
0x84: {  	_ =	shalt  }
0x85: {  	_ =	shalt  }
0x86: {  	_ =	shalt  }
0x87: {  	_ =	shalt  }
.Lfunc_end0:
.L_simem_size_0:
called_computation_lowered:
.L_overlay_start_0:
0x88: {  	s2 =	sld [smem:$0x3FD9]  }
0x89: {  	s3 =	sld [smem:$0x3FFE];
	_ =	sdelay $0x1  }
0x8a: {  	s1 =	srdreg.scid  }
0x8b: {  	s0 =	sand.u32 $0x1, s1  }
0x8c: {  	s17 =	sshll.u32 s0, $0xA;
	s2 =	sadd.s32 s3, s2  }
0x8d: {  	s2 =	sadd.s32 s2, s17  }
0x8e: {  	[smem:$0x3FC4] =	sst s2  }
0x8f: {  	_ = 	snop  }
0x90: {  	s2 =	sld [smem:$0x3FD0];
	(tm) =	ssettm $0x1  }
0x91: {  	s18 =	sld [smem:$0x3FFB];
	_ =	sdelay $0x3  }
0x92: {  	_ =	strace s18  }
0x93: {  	s3 =	sld [smem:$0x3FFC];
	_ =	sdelay $0x3  }
0x94: {  	_ =	strace s3  }
0x95: {  	s3 =	sld [smem:$0x3FFD];
	_ =	sdelay $0x3  }
0x96: {  	_ =	strace s3  }
0x97: {  	_ =	strace $0x8FFFFFFF  }
0x98: {  	s19 =	sld [smem:$0x3FDB];
	_ =	sdelay $0x1  }
0x99: {  	s4 =	simm.s32 $_scs_section_size  }
0x9a: {  	s5 =	simm.s32 $_size__tile_overlayer_lowered;
	s6 =	simm.s32 $_tile_overlayer_lowered  }
0x9b: {  	s22 =	simm.s32 $0x1BFF;
	s21 =	sshll.u32 s6, $0x1;
	s3 =	sadd.s32 s4, s19  }
0x9c: {  	s7 =	simm.s32 $0x0;
	s20 =	sshll.u32 s5, $0x1;
	s5 =	sadd.s32 s21, s3  }
0x9d: {  	[timem:s7], [sflag:s22] =	dma.local [hbm:s5], s20  }
0x9e: {  	_ =	swait.ge [sflag:s22], s20  }
0x9f: {  	s4 =	ssub.s32 $0x0, s20;
	[sflag:s22] =	ssyncset.done $0x0  }
0xa0: {  	[sflag:s22] =	ssyncadd.s32 s4;
	_ =	sdelay $0x1  }
0xa1: {  	s23 =	simm.s32 $0x1B8B  }
0xa2: {  	_ =	swait.ge [sflag:s23], $0x1  }
0xa3: {  	[sflag:s23] =	ssyncset.done $0x0  }
0xa4: {  	s25 =	simm.s32 $0x1B8E;
	s24 =	sld [smem:$0x3FFE];
	[sflag:s23] =	ssyncadd.s32 $0xFFFFFFFF  }
0xa5: {  	s26 =	simm.s32 $execute0_lowered;
	[smem:$0x3FD2] =	sst s25  }
0xa6: {  	s5 =	sshll.u32 s26, $0x1;
	_ =	strace $0x80000046;
	[dreg:$0x1] =	wrdreg $0xFFFFFFFF  }
0xa7: {  	s28 =	simm.s32 $_size_execute0_lowered;
	s3 =	sadd.s32 s3, s5;
	[dreg:$0x0] =	wrdreg $0x0  }
0xa8: {  	s5 =	sshll.u32 s28, $0x1;
	[dreg:$0x2] =	wrdreg s3  }
0xa9: {  	[dreg:$0x3] =	wrdreg s5  }
0xaa: {  	[dreg:$0x4] =	wrdreg $0xC0  }
0xab: {  	_ =	task [dreg:s7], $0x5FFFF  }
0xac: {  	[dreg:$0x1] =	wrdreg $0xFFFFFFFF  }
0xad: {  	[dreg:$0x0] =	wrdreg $0x60  }
0xae: {  	[dreg:$0x2] =	wrdreg s24  }
0xaf: {  	[dreg:$0x3] =	wrdreg s2  }
0xb0: {  	[dreg:$0x4] =	wrdreg $0x0  }
0xb1: {  	[dreg:$0x5] =	wrdreg $0x9  }
0xb2: {  	_ =	task.clear_ibuf [dreg:s7], $0x6FFFF;
	_ =	strace $0x90000046  }
0xb3: {  	s29 =	simm.s32 $0x9;
	_ =	strace $0x80000048  }
0xb4: {  	_ =	swait.ge [sflag:s29], $0x1  }
0xb5: {  	[sflag:s29] =	ssyncadd.s32 $0xFFFFFFFF  }
0xb6: {  	_ =	strace $0x90000048  }
0xb7: {  	_ =	sfence  }
0xb8: {  	s30 =	sld [smem:$0x0];
	_ =	sdelay $0x2  }
0xb9: {  	s31 =	sshll.u32 s1, $0xD;
	s1 =	sshrl.u32 s1, $0x2  }
0xba: {  	s3 =	sand.u32 $0x4000, s31;
	s1 =	sadd.s32 s1, s30  }
0xbb: {  	s0 =	sor.u32 s3, s0;
	s1 =	sshll.u32 s1, $0x11  }
0xbc: {  	s0 =	sor.u32 s1, s0  }
0xbd: {  	s0 =	sadd.s32 $0x8F2B, s0  }
0xbe: {  	[sflag:s0] =	ssyncadd.remote.s32 $0x1  }
0xbf: {  	_ =	sfence.sel $0xFFFF  }
0xc0: {  	[dreg:$0x0] =	wrdreg $0xFFFFFFFF;
	(pc) =	sbr.abs _section_cstart, $3  }
0xc1: {  	[dreg:$0x1] =	wrdreg $0xFFFFFFFF  }
0xc2: {  	_ =	task.clear_ibuf [dreg:s7], $0x2FFFF;
	_ =	strace $0x9FFFFFFF  }
0xc3: {  	(tm) =	ssettm $0x7FFFFFFF  }
tec
execute0_lowered:
.L_overlay_start_1:
0x0: {  	(tag) =	ssettag $0x1  }
0x1: {  	s0 =	rddreg [dreg:$0x0]  }
0x2: {  	s2 =	rddreg [dreg:$0x1];
	s1 =	srdreg.scid  }
0x3: {  	s7 =	stileid.u32;
	s4 =	rddreg [dreg:$0x2];
	s3 =	simm.s32 $0x0  }
0x4: {  	s17 =	simm.s32 $0x5;
	s28 =	simm.s32 $0x3;
	s29 =	simm.s32 $0x4  }
0x5: {  	s30 =	simm.s32 $0x0;
	s1 =	sand.u32 $0x1, s1;
	s5 =	sshll.u32 s7, $0x1  }
0x6: {  	[smem:$0x7FF] =	sst s3;
	s7 =	smul.u32 $0x9C40, s7;
	s5 =	sor.u32 s1, s5  }
0x7: {  	s8 =	sadd.s32 $0x1DA00, s0;
	s1 =	ssub.s32 $0x2, s1;
	s6 =	smul.u32 $0x4E2, s5  }
0x8: {  	_ =	strace $0x80000047;
	s20 =	sshrl.u32 s1, $0x1;
	s5 =	smul.u32 $0x138800, s5  }
0x9: {  	[dreg:$0x4] =	wrdreg s8;
	s21 =	sshrl.u32 s7, $0x2;
	s1 =	ssub.s32 s1, s20  }
0xa: {  	s8 =	sadd.s32 s21, s4;
	s6 =	sadd.s32 s0, s6;
	s23 =	sshrl.u32 s5, $0x3  }
0xb: {  	s25 =	sadd.s32 $0xC8, s8;
	s26 =	sadd.s32 $0x190, s8;
	s14 =	sadd.s32 $0xC800, s5  }
0xc: {  	s15 =	smax.u32 s1, $0x1;
	s22 =	sadd.s32 $0x13C00, s6;
	[dreg:$0x7] =	wrdreg s25  }
0xd: {  	s24 =	sadd.s32 $0x9E00, s6;
	s11 =	sadd.s32 s2, s23;
	[dreg:$0x8] =	wrdreg s26  }
0xe: {  	s23 =	simm.s32 $0x100;
	s25 =	simm.s32 $0x2;
	[dreg:$0x5] =	wrdreg s22  }
0xf: {  	s26 =	simm.s32 $0x14710;
	[dreg:$0x6] =	wrdreg s24;
	s31 =	sadd.s32 $0xC80, s11  }
0x10: {  	s22 =	simm.s32 $0x1;
	s24 =	simm.s32 $0xE310;
	[dreg:$0x9] =	wrdreg s31  }
.LBB2_1:
0x11: {  	s0 =	rddreg [dreg:$0x5];
	s1 =	simm.s32 $0x2710  }
0x12: {  	[tilespmem:s1], [sflag:$0x5] =	stream.linear.gather [hbm4b:s0+s3], $0x2710, $0x38;
	[tilespmem:$0x1AB10] =	vst v63  }
0x13: {  	_ =	swait.ge [sflag:s17], $0x2710  }
0x14: {  	[sflag:s17] =	ssyncset.done $0x0  }
0x15: {  	s21 =	simm.s32 $0x4E90;
	s20 =	rddreg [dreg:$0x6];
	[sflag:s17] =	ssyncadd.s32 $0xFFFFD8F0  }
0x16: {  	[tilespmem:s21], [sflag:$0x5] =	stream.linear.gather [hbm4b:s20+s3], $0x2710, $0x38;
	[tilespmem:$0x1AB10] =	vst v63  }
0x17: {  	_ =	swait.ge [sflag:s17], $0x2710  }
0x18: {  	[sflag:s17] =	ssyncset.done $0x0  }
0x19: {  	s31 =	simm.s32 $0x7610;
	[sflag:s17] =	ssyncadd.s32 $0xFFFFD8F0  }
0x1a: {  	[tilespmem:s31], [sflag:$0x5] =	stream.linear.gather [hbm4b:s6+s3], $0x2710, $0x38;
	[tilespmem:$0x1AB10] =	vst v63  }
0x1b: {  	_ =	swait.ge [sflag:s17], $0x2710  }
0x1c: {  	[sflag:s17] =	ssyncset.done $0x0  }
0x1d: {  	s0 =	simm.s32 $0x0;
	[sflag:s17] =	ssyncadd.s32 $0xFFFFD8F0  }
0x1e: {  	v0 =	vld [tilespmem:s0+$0x2710]  }
0x1f: {  	v1 =	vld [tilespmem:s0+$0x4E90];
	_ =	sdelay $0x1  }
0x20: {  	v2 =	vld [tilespmem:s0+$0x7610]  }
0x21: {  	s1 =	simm.s32 $0x40  }
.LBB2_2:
0x22: {  	s4 =	sshra.s32 s1, $0x2;
	p0 =	sne.s32 s1, $0x9C00;
	s1 =	sadd.s32 $0x40, s1;
	v3 =	vmul.u32 $0xC, v0  }
.Ltmp0:
0x23: {  	v0 =	vld [tilespmem:s4+$0x2710];
	v4 =	vshll.u32 v1, $0x1;
	(pc) =	sbr.rel @p0 .LBB2_2-.Ltmp0, $4  }
0x24: {  	v1 =	vld [tilespmem:s4+$0x4E90];
	v3 =	vadd.s32 v3, v4  }
0x25: {  	v3 =	vadd.s32 v2, v3  }
0x26: {  	v2 =	vld [tilespmem:s4+$0x7610];
	v3 =	vshll.u32 v3, $0x7  }
0x27: {  	[tilespmem:s0+$0x9D90] =	vst v3;
	s0 =	smov.u32 s4  }
0x28: {  	v0 =	vmul.u32 $0xC, v0  }
0x29: {  	v1 =	vshll.u32 v1, $0x1  }
0x2a: {  	v0 =	vadd.s32 v0, v1  }
0x2b: {  	v0 =	vadd.s32 v2, v0  }
0x2c: {  	v0 =	vshll.u32 v0, $0x7  }
0x2d: {  	s20 =	simm.s32 $0x9D90;
	[tilespmem:s0+$0x9D90] =	vst v0  }
0x2e: {  	[spmem:s8] =	stream.linear.scatter [tilespmem:s20], [sflag:$0x5], $0x2710, $0x38;
	[tilespmem:$0x1AB10] =	vst v63  }
0x2f: {  	_ =	swait.ge [sflag:s17], $0x2710  }
0x30: {  	[sflag:s17] =	ssyncset.done $0x0  }
0x31: {  	s1 =	simm.s32 $0xC510;
	s21 =	rddreg [dreg:$0x4];
	[sflag:s17] =	ssyncadd.s32 $0xFFFFD8F0  }
0x32: {  	[tilespmem:s1], [sflag:$0x5] =	stream.linear.gather [hbm4b:s21+s3], $0x1E00, $0x38;
	[tilespmem:$0x1AB10] =	vst v63  }
0x33: {  	_ =	swait.ge [sflag:s17], $0x1E00  }
0x34: {  	[sflag:s17] =	ssyncset.done $0x0  }
0x35: {  	[sflag:s17] =	ssyncadd.s32 $0xFFFFE200  }
0x36: {  	[smem:s3], [sflag:$0x1] =	stream.linear.gather [spmem:s8], $0xC8, $0x38;
	[tilespmem:$0x1AB10] =	vst v63  }
0x37: {  	_ =	swait.ge [sflag:s22], $0xC8  }
0x38: {  	[sflag:s22] =	ssyncset.done $0x0  }
0x39: {  	s31 =	rddreg [dreg:$0x7];
	[sflag:s22] =	ssyncadd.s32 $0xFFFFFF38  }
0x3a: {  	[smem:s23], [sflag:$0x2] =	stream.linear.gather [spmem:s31], $0xC8, $0x38;
	[tilespmem:$0x1AB10] =	vst v63  }
0x3b: {  	s7 =	sld [smem:$0x3]  }
0x3c: {  	s9 =	sld [smem:$0x1]  }
0x3d: {  	s0 =	sld [smem:$0x2]  }
0x3e: {  	s4 =	sld [smem:$0x0];
	v0 =	vld [tilespmem:s7+$0xC510]  }
0x3f: {  	v1 =	vld [tilespmem:s9+$0xC510]  }
0x40: {  	v2 =	vld [tilespmem:s0+$0xC510];
	_ =	sdelay $0x1  }
0x41: {  	s1 =	simm.s32 $0xE410  }
0x42: {  	v3 =	vld [tilespmem:s4+$0xC510];
	[tilespmem:s1+$0x80] =	vst v0  }
0x43: {  	[tilespmem:s1+$0xFFFFFF80] =	vst v1;
	v0 =	vld [tilespmem:s7+$0xC520]  }
0x44: {  	v1 =	vld [tilespmem:s9+$0xC520];
	[tilespmem:s1+$0x0] =	vst v2  }
0x45: {  	v2 =	vld [tilespmem:s0+$0xC520];
	_ =	sdelay $0x1  }
0x46: {  	[tilespmem:s1+$0xFFFFFF00] =	vst v3  }
0x47: {  	v3 =	vld [tilespmem:s4+$0xC520];
	[tilespmem:s1+$0x90] =	vst v0  }
0x48: {  	[tilespmem:s1+$0xFFFFFF90] =	vst v1;
	v0 =	vld [tilespmem:s7+$0xC530]  }
0x49: {  	v1 =	vld [tilespmem:s9+$0xC530];
	[tilespmem:s1+$0x10] =	vst v2  }
0x4a: {  	v2 =	vld [tilespmem:s0+$0xC530];
	_ =	sdelay $0x1  }
0x4b: {  	[tilespmem:s1+$0xFFFFFF10] =	vst v3  }
0x4c: {  	v3 =	vld [tilespmem:s4+$0xC530];
	[tilespmem:s1+$0xA0] =	vst v0  }
0x4d: {  	[tilespmem:s1+$0xFFFFFFA0] =	vst v1;
	v0 =	vld [tilespmem:s7+$0xC540]  }
0x4e: {  	v1 =	vld [tilespmem:s9+$0xC540];
	[tilespmem:s1+$0x20] =	vst v2  }
0x4f: {  	v2 =	vld [tilespmem:s0+$0xC540];
	_ =	sdelay $0x1  }
0x50: {  	[tilespmem:s1+$0xFFFFFF20] =	vst v3  }
0x51: {  	v3 =	vld [tilespmem:s4+$0xC540];
	[tilespmem:s1+$0xB0] =	vst v0  }
0x52: {  	[tilespmem:s1+$0xFFFFFFB0] =	vst v1;
	v0 =	vld [tilespmem:s7+$0xC550]  }
0x53: {  	v1 =	vld [tilespmem:s9+$0xC550];
	[tilespmem:s1+$0x30] =	vst v2  }
0x54: {  	v2 =	vld [tilespmem:s0+$0xC550];
	_ =	sdelay $0x1  }
0x55: {  	[tilespmem:s1+$0xFFFFFF30] =	vst v3  }
0x56: {  	v3 =	vld [tilespmem:s4+$0xC550];
	s18 =	sld [smem:$0x7];
	[tilespmem:s1+$0xC0] =	vst v0  }
0x57: {  	s16 =	sld [smem:$0x5];
	[tilespmem:s1+$0xFFFFFFC0] =	vst v1;
	v0 =	vld [tilespmem:s7+$0xC560]  }
0x58: {  	s20 =	sld [smem:$0x6];
	v1 =	vld [tilespmem:s9+$0xC560];
	[tilespmem:s1+$0x40] =	vst v2  }
0x59: {  	s21 =	sld [smem:$0x4];
	v2 =	vld [tilespmem:s18+$0xC510]  }
0x5a: {  	v4 =	vld [tilespmem:s16+$0xC510]  }
0x5b: {  	[tilespmem:s1+$0xFFFFFF40] =	vst v3;
	v3 =	vld [tilespmem:s20+$0xC510]  }
0x5c: {  	v5 =	vld [tilespmem:s21+$0xC510];
	[tilespmem:s1+$0xD0] =	vst v0  }
0x5d: {  	s19 =	simm.s32 $0xE610;
	[tilespmem:s1+$0xFFFFFFD0] =	vst v1;
	v0 =	vld [tilespmem:s7+$0xC570]  }
0x5e: {  	v1 =	vld [tilespmem:s4+$0xC560];
	[tilespmem:s19+$0x80] =	vst v2  }
0x5f: {  	[tilespmem:s19+$0xFFFFFF80] =	vst v4;
	v2 =	vld [tilespmem:s18+$0xC520]  }
0x60: {  	v4 =	vld [tilespmem:s16+$0xC520];
	[tilespmem:s19+$0x0] =	vst v3  }
0x61: {  	[tilespmem:s19+$0xFFFFFF00] =	vst v5;
	v3 =	vld [tilespmem:s20+$0xC520]  }
0x62: {  	v5 =	vld [tilespmem:s21+$0xC520];
	[tilespmem:s1+$0xE0] =	vst v0  }
0x63: {  	[tilespmem:s1+$0xFFFFFF50] =	vst v1;
	v1 =	vld [tilespmem:s0+$0xC560]  }
0x64: {  	v0 =	vld [tilespmem:s7+$0xC580];
	[tilespmem:s19+$0x90] =	vst v2  }
0x65: {  	[tilespmem:s19+$0xFFFFFF90] =	vst v4;
	v2 =	vld [tilespmem:s18+$0xC530]  }
0x66: {  	v4 =	vld [tilespmem:s16+$0xC530];
	[tilespmem:s19+$0x10] =	vst v3  }
0x67: {  	[tilespmem:s19+$0xFFFFFF10] =	vst v5;
	v3 =	vld [tilespmem:s20+$0xC530]  }
0x68: {  	[tilespmem:s1+$0x50] =	vst v1;
	v5 =	vld [tilespmem:s21+$0xC530]  }
0x69: {  	v1 =	vld [tilespmem:s9+$0xC570];
	[tilespmem:s1+$0xF0] =	vst v0  }
0x6a: {  	v0 =	vld [tilespmem:s4+$0xC570];
	[tilespmem:s19+$0xA0] =	vst v2  }
0x6b: {  	[tilespmem:s19+$0xFFFFFFA0] =	vst v4;
	v2 =	vld [tilespmem:s18+$0xC540]  }
0x6c: {  	v4 =	vld [tilespmem:s16+$0xC540];
	[tilespmem:s19+$0x20] =	vst v3  }
0x6d: {  	[tilespmem:s19+$0xFFFFFF20] =	vst v5;
	v3 =	vld [tilespmem:s20+$0xC540]  }
0x6e: {  	[tilespmem:s1+$0xFFFFFFE0] =	vst v1;
	v5 =	vld [tilespmem:s21+$0xC540]  }
0x6f: {  	[tilespmem:s1+$0xFFFFFF60] =	vst v0;
	v0 =	vld [tilespmem:s0+$0xC570]  }
0x70: {  	v6 =	vld [tilespmem:s4+$0xC580];
	[tilespmem:s19+$0xB0] =	vst v2  }
0x71: {  	[tilespmem:s19+$0xFFFFFFB0] =	vst v4;
	v4 =	vld [tilespmem:s18+$0xC550]  }
0x72: {  	v2 =	vld [tilespmem:s16+$0xC550];
	[tilespmem:s19+$0x30] =	vst v3  }
0x73: {  	[tilespmem:s19+$0xFFFFFF30] =	vst v5;
	v1 =	vld [tilespmem:s20+$0xC550]  }
0x74: {  	[tilespmem:s1+$0x60] =	vst v0;
	v3 =	vld [tilespmem:s21+$0xC550]  }
0x75: {  	s7 =	simm.s32 $0xA;
	s4 =	simm.s32 $0x4;
	v0 =	vld [tilespmem:s9+$0xC580];
	[tilespmem:s1+$0xFFFFFF70] =	vst v6  }
.LBB2_4:
0x76: {  	s12 =	sld [smem:s7+$0x1];
	s4 =	sadd.s32 $0x4, s4;
	[tilespmem:s19+$0xC0] =	vst v4;
	v4 =	vld [tilespmem:s0+$0xC580];
	s0 =	smov.u32 s20  }
0x77: {  	s9 =	sld [smem:s7+$0xFFFFFFFF];
	p0 =	slt.u32 s4, $0xC4;
	[tilespmem:s19+$0xFFFFFFC0] =	vst v2;
	v2 =	vld [tilespmem:s18+$0xC560]  }
0x78: {  	s20 =	sld [smem:s7+$0x0];
	v5 =	vld [tilespmem:s16+$0xC560];
	[tilespmem:s19+$0x40] =	vst v1  }
0x79: {  	s10 =	sld [smem:s7+$0xFFFFFFFE];
	v1 =	vld [tilespmem:s12+$0xC510];
	[tilespmem:s19+$0xFFFFFF40] =	vst v3  }
0x7a: {  	v3 =	vld [tilespmem:s9+$0xC510];
	[tilespmem:s1+$0xFFFFFFF0] =	vst v0  }
0x7b: {  	v0 =	vld [tilespmem:s20+$0xC510];
	[tilespmem:s1+$0x70] =	vst v4;
	s1 =	smov.u32 s19  }
0x7c: {  	v4 =	vld [tilespmem:s10+$0xC510];
	[tilespmem:s19+$0xD0] =	vst v2  }
0x7d: {  	s19 =	sadd.s32 $0x200, s19;
	[tilespmem:s1+$0xFFFFFFD0] =	vst v5;
	v2 =	vld [tilespmem:s18+$0xC570]  }
0x7e: {  	[tilespmem:s19+$0x80] =	vst v1;
	v1 =	vld [tilespmem:s21+$0xC560]  }
0x7f: {  	[tilespmem:s19+$0xFFFFFF80] =	vst v3;
	v3 =	vld [tilespmem:s12+$0xC520]  }
0x80: {  	v5 =	vld [tilespmem:s9+$0xC520];
	[tilespmem:s19+$0x0] =	vst v0  }
0x81: {  	[tilespmem:s19+$0xFFFFFF00] =	vst v4;
	v0 =	vld [tilespmem:s20+$0xC520]  }
0x82: {  	v4 =	vld [tilespmem:s10+$0xC520];
	[tilespmem:s1+$0xE0] =	vst v2  }
0x83: {  	[tilespmem:s1+$0xFFFFFF50] =	vst v1;
	v1 =	vld [tilespmem:s18+$0xC580];
	s18 =	smov.u32 s12  }
0x84: {  	[tilespmem:s19+$0x90] =	vst v3;
	v2 =	vld [tilespmem:s0+$0xC560]  }
0x85: {  	[tilespmem:s19+$0xFFFFFF90] =	vst v5;
	v3 =	vld [tilespmem:s18+$0xC530]  }
0x86: {  	v5 =	vld [tilespmem:s9+$0xC530];
	[tilespmem:s19+$0x10] =	vst v0  }
0x87: {  	[tilespmem:s19+$0xFFFFFF10] =	vst v4;
	v0 =	vld [tilespmem:s20+$0xC530]  }
0x88: {  	v4 =	vld [tilespmem:s10+$0xC530];
	[tilespmem:s1+$0xF0] =	vst v1  }
0x89: {  	v1 =	vld [tilespmem:s21+$0xC570];
	[tilespmem:s1+$0x50] =	vst v2  }
0x8a: {  	[tilespmem:s19+$0xA0] =	vst v3;
	v2 =	vld [tilespmem:s16+$0xC570]  }
0x8b: {  	[tilespmem:s19+$0xFFFFFFA0] =	vst v5;
	v3 =	vld [tilespmem:s18+$0xC540]  }
0x8c: {  	v5 =	vld [tilespmem:s9+$0xC540];
	[tilespmem:s19+$0x20] =	vst v0  }
0x8d: {  	[tilespmem:s19+$0xFFFFFF20] =	vst v4;
	v0 =	vld [tilespmem:s20+$0xC540]  }
0x8e: {  	v6 =	vld [tilespmem:s10+$0xC540];
	[tilespmem:s1+$0xFFFFFF60] =	vst v1  }
0x8f: {  	[tilespmem:s1+$0xFFFFFFE0] =	vst v2;
	v7 =	vld [tilespmem:s0+$0xC570]  }
0x90: {  	[tilespmem:s19+$0xB0] =	vst v3;
	v8 =	vld [tilespmem:s21+$0xC580];
	s21 =	smov.u32 s10  }
.Ltmp1:
0x91: {  	[tilespmem:s19+$0xFFFFFFB0] =	vst v5;
	v4 =	vld [tilespmem:s18+$0xC550];
	(pc) =	sbr.rel @p0 .LBB2_4-.Ltmp1, $4  }
0x92: {  	v2 =	vld [tilespmem:s9+$0xC550];
	[tilespmem:s19+$0x30] =	vst v0  }
0x93: {  	[tilespmem:s19+$0xFFFFFF30] =	vst v6;
	v1 =	vld [tilespmem:s20+$0xC550]  }
0x94: {  	v3 =	vld [tilespmem:s21+$0xC550];
	[tilespmem:s1+$0x60] =	vst v7  }
0x95: {  	s7 =	sadd.s32 $0x4, s7;
	[tilespmem:s1+$0xFFFFFF70] =	vst v8;
	v0 =	vld [tilespmem:s16+$0xC580];
	s16 =	smov.u32 s9  }
0x96: {  	[tilespmem:s19+$0xC0] =	vst v4  }
0x97: {  	[tilespmem:s19+$0xFFFFFFC0] =	vst v2  }
0x98: {  	v4 =	vld [tilespmem:s18+$0xC560];
	[tilespmem:s19+$0x40] =	vst v1  }
0x99: {  	[tilespmem:s19+$0xFFFFFF40] =	vst v3;
	v3 =	vld [tilespmem:s16+$0xC560]  }
0x9a: {  	v1 =	vld [tilespmem:s20+$0xC560]  }
0x9b: {  	v2 =	vld [tilespmem:s21+$0xC560];
	_ =	sdelay $0x1  }
0x9c: {  	[tilespmem:s19+$0xD0] =	vst v4  }
0x9d: {  	v4 =	vld [tilespmem:s18+$0xC570];
	[tilespmem:s19+$0xFFFFFFD0] =	vst v3  }
0x9e: {  	[tilespmem:s19+$0x50] =	vst v1;
	v1 =	vld [tilespmem:s16+$0xC570]  }
0x9f: {  	[tilespmem:s19+$0xFFFFFF50] =	vst v2;
	v3 =	vld [tilespmem:s20+$0xC570]  }
0xa0: {  	v2 =	vld [tilespmem:s21+$0xC570];
	_ =	sdelay $0x1  }
0xa1: {  	[tilespmem:s19+$0xE0] =	vst v4  }
0xa2: {  	v5 =	vld [tilespmem:s0+$0xC580];
	[tilespmem:s19+$0xFFFFFFE0] =	vst v1  }
0xa3: {  	v4 =	vld [tilespmem:s18+$0xC580];
	[tilespmem:s19+$0x60] =	vst v3  }
0xa4: {  	[tilespmem:s19+$0xFFFFFF60] =	vst v2;
	v2 =	vld [tilespmem:s16+$0xC580]  }
0xa5: {  	[tilespmem:s1+$0xFFFFFFF0] =	vst v0;
	v0 =	vld [tilespmem:s20+$0xC580]  }
0xa6: {  	v1 =	vld [tilespmem:s21+$0xC580]  }
0xa7: {  	[tilespmem:s1+$0x70] =	vst v5  }
0xa8: {  	[tilespmem:s19+$0xF0] =	vst v4  }
0xa9: {  	[tilespmem:s19+$0xFFFFFFF0] =	vst v2  }
0xaa: {  	[tilespmem:s19+$0x70] =	vst v0  }
0xab: {  	[tilespmem:s19+$0xFFFFFF70] =	vst v1  }
0xac: {  	[hbm4b:s11+s3] =	stream.linear.scatter [tilespmem:s24], [sflag:$0x3], $0x6400, $0x38;
	[tilespmem:$0x1AB10] =	vst v63  }
0xad: {  	_ =	swait.ge [sflag:s25], $0xC8  }
0xae: {  	[sflag:s25] =	ssyncset.done $0x0  }
0xaf: {  	s31 =	rddreg [dreg:$0x8];
	[sflag:s25] =	ssyncadd.s32 $0xFFFFFF38  }
0xb0: {  	[smem:s3], [sflag:$0x1] =	stream.linear.gather [spmem:s31], $0xC8, $0x38;
	[tilespmem:$0x1AB10] =	vst v63  }
0xb1: {  	s7 =	sld [smem:$0x103]  }
0xb2: {  	s9 =	sld [smem:$0x101]  }
0xb3: {  	s0 =	sld [smem:$0x102]  }
0xb4: {  	s4 =	sld [smem:$0x100];
	v0 =	vld [tilespmem:s7+$0xC510]  }
0xb5: {  	v1 =	vld [tilespmem:s9+$0xC510]  }
0xb6: {  	v2 =	vld [tilespmem:s0+$0xC510];
	_ =	sdelay $0x1  }
0xb7: {  	s1 =	simm.s32 $0x14810  }
0xb8: {  	v3 =	vld [tilespmem:s4+$0xC510];
	[tilespmem:s1+$0x80] =	vst v0  }
0xb9: {  	[tilespmem:s1+$0xFFFFFF80] =	vst v1;
	v0 =	vld [tilespmem:s7+$0xC520]  }
0xba: {  	v1 =	vld [tilespmem:s9+$0xC520];
	[tilespmem:s1+$0x0] =	vst v2  }
0xbb: {  	v2 =	vld [tilespmem:s0+$0xC520];
	_ =	sdelay $0x1  }
0xbc: {  	[tilespmem:s1+$0xFFFFFF00] =	vst v3  }
0xbd: {  	v3 =	vld [tilespmem:s4+$0xC520];
	[tilespmem:s1+$0x90] =	vst v0  }
0xbe: {  	[tilespmem:s1+$0xFFFFFF90] =	vst v1;
	v0 =	vld [tilespmem:s7+$0xC530]  }
0xbf: {  	v1 =	vld [tilespmem:s9+$0xC530];
	[tilespmem:s1+$0x10] =	vst v2  }
0xc0: {  	v2 =	vld [tilespmem:s0+$0xC530];
	_ =	sdelay $0x1  }
0xc1: {  	[tilespmem:s1+$0xFFFFFF10] =	vst v3  }
0xc2: {  	v3 =	vld [tilespmem:s4+$0xC530];
	[tilespmem:s1+$0xA0] =	vst v0  }
0xc3: {  	[tilespmem:s1+$0xFFFFFFA0] =	vst v1;
	v0 =	vld [tilespmem:s7+$0xC540]  }
0xc4: {  	v1 =	vld [tilespmem:s9+$0xC540];
	[tilespmem:s1+$0x20] =	vst v2  }
0xc5: {  	v2 =	vld [tilespmem:s0+$0xC540];
	_ =	sdelay $0x1  }
0xc6: {  	[tilespmem:s1+$0xFFFFFF20] =	vst v3  }
0xc7: {  	v3 =	vld [tilespmem:s4+$0xC540];
	[tilespmem:s1+$0xB0] =	vst v0  }
0xc8: {  	[tilespmem:s1+$0xFFFFFFB0] =	vst v1;
	v0 =	vld [tilespmem:s7+$0xC550]  }
0xc9: {  	v1 =	vld [tilespmem:s9+$0xC550];
	[tilespmem:s1+$0x30] =	vst v2  }
0xca: {  	v2 =	vld [tilespmem:s0+$0xC550];
	_ =	sdelay $0x1  }
0xcb: {  	[tilespmem:s1+$0xFFFFFF30] =	vst v3  }
0xcc: {  	v3 =	vld [tilespmem:s4+$0xC550];
	s18 =	sld [smem:$0x107];
	[tilespmem:s1+$0xC0] =	vst v0  }
0xcd: {  	s16 =	sld [smem:$0x105];
	[tilespmem:s1+$0xFFFFFFC0] =	vst v1;
	v0 =	vld [tilespmem:s7+$0xC560]  }
0xce: {  	s20 =	sld [smem:$0x106];
	v1 =	vld [tilespmem:s9+$0xC560];
	[tilespmem:s1+$0x40] =	vst v2  }
0xcf: {  	s21 =	sld [smem:$0x104];
	v2 =	vld [tilespmem:s18+$0xC510]  }
0xd0: {  	v4 =	vld [tilespmem:s16+$0xC510]  }
0xd1: {  	[tilespmem:s1+$0xFFFFFF40] =	vst v3;
	v3 =	vld [tilespmem:s20+$0xC510]  }
0xd2: {  	v5 =	vld [tilespmem:s21+$0xC510];
	[tilespmem:s1+$0xD0] =	vst v0  }
0xd3: {  	s19 =	simm.s32 $0x14A10;
	[tilespmem:s1+$0xFFFFFFD0] =	vst v1;
	v0 =	vld [tilespmem:s7+$0xC570]  }
0xd4: {  	v1 =	vld [tilespmem:s4+$0xC560];
	[tilespmem:s19+$0x80] =	vst v2  }
0xd5: {  	[tilespmem:s19+$0xFFFFFF80] =	vst v4;
	v2 =	vld [tilespmem:s18+$0xC520]  }
0xd6: {  	v4 =	vld [tilespmem:s16+$0xC520];
	[tilespmem:s19+$0x0] =	vst v3  }
0xd7: {  	[tilespmem:s19+$0xFFFFFF00] =	vst v5;
	v3 =	vld [tilespmem:s20+$0xC520]  }
0xd8: {  	v5 =	vld [tilespmem:s21+$0xC520];
	[tilespmem:s1+$0xE0] =	vst v0  }
0xd9: {  	[tilespmem:s1+$0xFFFFFF50] =	vst v1;
	v1 =	vld [tilespmem:s0+$0xC560]  }
0xda: {  	v0 =	vld [tilespmem:s7+$0xC580];
	[tilespmem:s19+$0x90] =	vst v2  }
0xdb: {  	[tilespmem:s19+$0xFFFFFF90] =	vst v4;
	v2 =	vld [tilespmem:s18+$0xC530]  }
0xdc: {  	v4 =	vld [tilespmem:s16+$0xC530];
	[tilespmem:s19+$0x10] =	vst v3  }
0xdd: {  	[tilespmem:s19+$0xFFFFFF10] =	vst v5;
	v3 =	vld [tilespmem:s20+$0xC530]  }
0xde: {  	[tilespmem:s1+$0x50] =	vst v1;
	v5 =	vld [tilespmem:s21+$0xC530]  }
0xdf: {  	v1 =	vld [tilespmem:s9+$0xC570];
	[tilespmem:s1+$0xF0] =	vst v0  }
0xe0: {  	v0 =	vld [tilespmem:s4+$0xC570];
	[tilespmem:s19+$0xA0] =	vst v2  }
0xe1: {  	[tilespmem:s19+$0xFFFFFFA0] =	vst v4;
	v2 =	vld [tilespmem:s18+$0xC540]  }
0xe2: {  	v4 =	vld [tilespmem:s16+$0xC540];
	[tilespmem:s19+$0x20] =	vst v3  }
0xe3: {  	[tilespmem:s19+$0xFFFFFF20] =	vst v5;
	v3 =	vld [tilespmem:s20+$0xC540]  }
0xe4: {  	[tilespmem:s1+$0xFFFFFFE0] =	vst v1;
	v5 =	vld [tilespmem:s21+$0xC540]  }
0xe5: {  	[tilespmem:s1+$0xFFFFFF60] =	vst v0;
	v0 =	vld [tilespmem:s0+$0xC570]  }
0xe6: {  	v6 =	vld [tilespmem:s4+$0xC580];
	[tilespmem:s19+$0xB0] =	vst v2  }
0xe7: {  	[tilespmem:s19+$0xFFFFFFB0] =	vst v4;
	v4 =	vld [tilespmem:s18+$0xC550]  }
0xe8: {  	v2 =	vld [tilespmem:s16+$0xC550];
	[tilespmem:s19+$0x30] =	vst v3  }
0xe9: {  	[tilespmem:s19+$0xFFFFFF30] =	vst v5;
	v1 =	vld [tilespmem:s20+$0xC550]  }
0xea: {  	[tilespmem:s1+$0x60] =	vst v0;
	v3 =	vld [tilespmem:s21+$0xC550]  }
0xeb: {  	s7 =	simm.s32 $0x10A;
	s4 =	simm.s32 $0x4;
	v0 =	vld [tilespmem:s9+$0xC580];
	[tilespmem:s1+$0xFFFFFF70] =	vst v6  }
.LBB2_6:
0xec: {  	s12 =	sld [smem:s7+$0x1];
	s4 =	sadd.s32 $0x4, s4;
	[tilespmem:s19+$0xC0] =	vst v4;
	v4 =	vld [tilespmem:s0+$0xC580];
	s0 =	smov.u32 s20  }
0xed: {  	s9 =	sld [smem:s7+$0xFFFFFFFF];
	p0 =	slt.u32 s4, $0xC4;
	[tilespmem:s19+$0xFFFFFFC0] =	vst v2;
	v2 =	vld [tilespmem:s18+$0xC560]  }
0xee: {  	s20 =	sld [smem:s7+$0x0];
	v5 =	vld [tilespmem:s16+$0xC560];
	[tilespmem:s19+$0x40] =	vst v1  }
0xef: {  	s10 =	sld [smem:s7+$0xFFFFFFFE];
	v1 =	vld [tilespmem:s12+$0xC510];
	[tilespmem:s19+$0xFFFFFF40] =	vst v3  }
0xf0: {  	v3 =	vld [tilespmem:s9+$0xC510];
	[tilespmem:s1+$0xFFFFFFF0] =	vst v0  }
0xf1: {  	v0 =	vld [tilespmem:s20+$0xC510];
	[tilespmem:s1+$0x70] =	vst v4;
	s1 =	smov.u32 s19  }
0xf2: {  	v4 =	vld [tilespmem:s10+$0xC510];
	[tilespmem:s19+$0xD0] =	vst v2  }
0xf3: {  	s19 =	sadd.s32 $0x200, s19;
	[tilespmem:s1+$0xFFFFFFD0] =	vst v5;
	v2 =	vld [tilespmem:s18+$0xC570]  }
0xf4: {  	[tilespmem:s19+$0x80] =	vst v1;
	v1 =	vld [tilespmem:s21+$0xC560]  }
0xf5: {  	[tilespmem:s19+$0xFFFFFF80] =	vst v3;
	v3 =	vld [tilespmem:s12+$0xC520]  }
0xf6: {  	v5 =	vld [tilespmem:s9+$0xC520];
	[tilespmem:s19+$0x0] =	vst v0  }
0xf7: {  	[tilespmem:s19+$0xFFFFFF00] =	vst v4;
	v0 =	vld [tilespmem:s20+$0xC520]  }
0xf8: {  	v4 =	vld [tilespmem:s10+$0xC520];
	[tilespmem:s1+$0xE0] =	vst v2  }
0xf9: {  	[tilespmem:s1+$0xFFFFFF50] =	vst v1;
	v1 =	vld [tilespmem:s18+$0xC580];
	s18 =	smov.u32 s12  }
0xfa: {  	[tilespmem:s19+$0x90] =	vst v3;
	v2 =	vld [tilespmem:s0+$0xC560]  }
0xfb: {  	[tilespmem:s19+$0xFFFFFF90] =	vst v5;
	v3 =	vld [tilespmem:s18+$0xC530]  }
0xfc: {  	v5 =	vld [tilespmem:s9+$0xC530];
	[tilespmem:s19+$0x10] =	vst v0  }
0xfd: {  	[tilespmem:s19+$0xFFFFFF10] =	vst v4;
	v0 =	vld [tilespmem:s20+$0xC530]  }
0xfe: {  	v4 =	vld [tilespmem:s10+$0xC530];
	[tilespmem:s1+$0xF0] =	vst v1  }
0xff: {  	v1 =	vld [tilespmem:s21+$0xC570];
	[tilespmem:s1+$0x50] =	vst v2  }
0x100: {  	[tilespmem:s19+$0xA0] =	vst v3;
	v2 =	vld [tilespmem:s16+$0xC570]  }
0x101: {  	[tilespmem:s19+$0xFFFFFFA0] =	vst v5;
	v3 =	vld [tilespmem:s18+$0xC540]  }
0x102: {  	v5 =	vld [tilespmem:s9+$0xC540];
	[tilespmem:s19+$0x20] =	vst v0  }
0x103: {  	[tilespmem:s19+$0xFFFFFF20] =	vst v4;
	v0 =	vld [tilespmem:s20+$0xC540]  }
0x104: {  	v6 =	vld [tilespmem:s10+$0xC540];
	[tilespmem:s1+$0xFFFFFF60] =	vst v1  }
0x105: {  	[tilespmem:s1+$0xFFFFFFE0] =	vst v2;
	v7 =	vld [tilespmem:s0+$0xC570]  }
0x106: {  	[tilespmem:s19+$0xB0] =	vst v3;
	v8 =	vld [tilespmem:s21+$0xC580];
	s21 =	smov.u32 s10  }
.Ltmp2:
0x107: {  	[tilespmem:s19+$0xFFFFFFB0] =	vst v5;
	v4 =	vld [tilespmem:s18+$0xC550];
	(pc) =	sbr.rel @p0 .LBB2_6-.Ltmp2, $4  }
0x108: {  	v2 =	vld [tilespmem:s9+$0xC550];
	[tilespmem:s19+$0x30] =	vst v0  }
0x109: {  	[tilespmem:s19+$0xFFFFFF30] =	vst v6;
	v1 =	vld [tilespmem:s20+$0xC550]  }
0x10a: {  	v3 =	vld [tilespmem:s21+$0xC550];
	[tilespmem:s1+$0x60] =	vst v7  }
0x10b: {  	s7 =	sadd.s32 $0x4, s7;
	[tilespmem:s1+$0xFFFFFF70] =	vst v8;
	v0 =	vld [tilespmem:s16+$0xC580];
	s16 =	smov.u32 s9  }
0x10c: {  	[tilespmem:s19+$0xC0] =	vst v4  }
0x10d: {  	v4 =	vld [tilespmem:s18+$0xC560];
	[tilespmem:s19+$0xFFFFFFC0] =	vst v2  }
0x10e: {  	v58 =	vld [tilespmem:s16+$0xC560];
	[tilespmem:s19+$0x40] =	vst v1  }
0x10f: {  	[tilespmem:s19+$0xFFFFFF40] =	vst v3;
	v1 =	vld [tilespmem:s20+$0xC560]  }
0x110: {  	v57 =	vld [tilespmem:s21+$0xC560];
	_ =	sdelay $0x1  }
0x111: {  	[tilespmem:s19+$0xD0] =	vst v4  }
0x112: {  	v4 =	vld [tilespmem:s18+$0xC570];
	[tilespmem:s19+$0xFFFFFFD0] =	vst v58  }
0x113: {  	[tilespmem:s19+$0x50] =	vst v1;
	v59 =	vld [tilespmem:s16+$0xC570]  }
0x114: {  	[tilespmem:s19+$0xFFFFFF50] =	vst v57;
	v60 =	vld [tilespmem:s20+$0xC570]  }
0x115: {  	v2 =	vld [tilespmem:s21+$0xC570];
	_ =	sdelay $0x1  }
0x116: {  	v5 =	vld [tilespmem:s0+$0xC580];
	[tilespmem:s19+$0xE0] =	vst v4  }
0x117: {  	v4 =	vld [tilespmem:s18+$0xC580];
	[tilespmem:s19+$0xFFFFFFE0] =	vst v59  }
0x118: {  	[tilespmem:s19+$0x60] =	vst v60;
	v62 =	vld [tilespmem:s16+$0xC580]  }
0x119: {  	[tilespmem:s19+$0xFFFFFF60] =	vst v2;
	v63 =	vld [tilespmem:s20+$0xC580]  }
0x11a: {  	[tilespmem:s1+$0xFFFFFFF0] =	vst v0;
	v61 =	vld [tilespmem:s21+$0xC580]  }
0x11b: {  	[tilespmem:s1+$0x70] =	vst v5  }
0x11c: {  	[tilespmem:s19+$0xF0] =	vst v4  }
0x11d: {  	[tilespmem:s19+$0xFFFFFFF0] =	vst v62  }
0x11e: {  	[tilespmem:s19+$0x70] =	vst v63  }
0x11f: {  	[tilespmem:s19+$0xFFFFFF70] =	vst v61  }
0x120: {  	s31 =	simm.s32 $0x0;
	s21 =	rddreg [dreg:$0x9]  }
0x121: {  	[hbm4b:s21+s31] =	stream.linear.scatter [tilespmem:s26], [sflag:$0x4], $0x6400, $0x38;
	[tilespmem:$0x1AB10] =	vst v63  }
.LBB2_8:
0x122: {  	s0 =	sshll.u32 s31, $0x1;
	_ =	swait.ge [sflag:s28], $0x6400  }
0x123: {  	[sflag:s28] =	ssyncset.done $0x0;
	s1 =	sadd.s32 $0x3, s0  }
0x124: {  	[sflag:s28] =	ssyncadd.s32 $0xFFFF9C00;
	s0 =	smul.u32 $0x320, s1  }
0x125: {  	_ =	swait.ge [sflag:s22], $0xC8  }
0x126: {  	[sflag:s22] =	ssyncset.done $0x0;
	s0 =	sshra.s32 s0, $0x2  }
0x127: {  	[sflag:s22] =	ssyncadd.s32 $0xFFFFFF38;
	s0 =	sadd.s32 s0, s8  }
0x128: {  	[smem:s23], [sflag:$0x2] =	stream.linear.gather [spmem:s0], $0xC8, $0x38;
	[tilespmem:$0x1AB10] =	vst v63  }
0x129: {  	s9 =	sld [smem:$0x3]  }
0x12a: {  	s10 =	sld [smem:$0x1]  }
0x12b: {  	s16 =	sld [smem:$0x2]  }
0x12c: {  	s7 =	sld [smem:$0x0];
	v0 =	vld [tilespmem:s9+$0xC510]  }
0x12d: {  	v1 =	vld [tilespmem:s10+$0xC510]  }
0x12e: {  	v2 =	vld [tilespmem:s16+$0xC510];
	_ =	sdelay $0x1  }
0x12f: {  	s0 =	simm.s32 $0xE410  }
0x130: {  	v3 =	vld [tilespmem:s7+$0xC510];
	[tilespmem:s0+$0x80] =	vst v0  }
0x131: {  	[tilespmem:s0+$0xFFFFFF80] =	vst v1;
	v0 =	vld [tilespmem:s9+$0xC520]  }
0x132: {  	v1 =	vld [tilespmem:s10+$0xC520];
	[tilespmem:s0+$0x0] =	vst v2  }
0x133: {  	v2 =	vld [tilespmem:s16+$0xC520];
	_ =	sdelay $0x1  }
0x134: {  	[tilespmem:s0+$0xFFFFFF00] =	vst v3  }
0x135: {  	v3 =	vld [tilespmem:s7+$0xC520];
	[tilespmem:s0+$0x90] =	vst v0  }
0x136: {  	[tilespmem:s0+$0xFFFFFF90] =	vst v1;
	v0 =	vld [tilespmem:s9+$0xC530]  }
0x137: {  	v1 =	vld [tilespmem:s10+$0xC530];
	[tilespmem:s0+$0x10] =	vst v2  }
0x138: {  	v2 =	vld [tilespmem:s16+$0xC530];
	_ =	sdelay $0x1  }
0x139: {  	[tilespmem:s0+$0xFFFFFF10] =	vst v3  }
0x13a: {  	v3 =	vld [tilespmem:s7+$0xC530];
	[tilespmem:s0+$0xA0] =	vst v0  }
0x13b: {  	[tilespmem:s0+$0xFFFFFFA0] =	vst v1;
	v0 =	vld [tilespmem:s9+$0xC540]  }
0x13c: {  	v1 =	vld [tilespmem:s10+$0xC540];
	[tilespmem:s0+$0x20] =	vst v2  }
0x13d: {  	v2 =	vld [tilespmem:s16+$0xC540];
	_ =	sdelay $0x1  }
0x13e: {  	[tilespmem:s0+$0xFFFFFF20] =	vst v3  }
0x13f: {  	v3 =	vld [tilespmem:s7+$0xC540];
	[tilespmem:s0+$0xB0] =	vst v0  }
0x140: {  	[tilespmem:s0+$0xFFFFFFB0] =	vst v1;
	v0 =	vld [tilespmem:s9+$0xC550]  }
0x141: {  	v1 =	vld [tilespmem:s10+$0xC550];
	[tilespmem:s0+$0x30] =	vst v2  }
0x142: {  	v2 =	vld [tilespmem:s16+$0xC550];
	_ =	sdelay $0x1  }
0x143: {  	[tilespmem:s0+$0xFFFFFF30] =	vst v3  }
0x144: {  	v3 =	vld [tilespmem:s7+$0xC550];
	s19 =	sld [smem:$0x7];
	[tilespmem:s0+$0xC0] =	vst v0  }
0x145: {  	s18 =	sld [smem:$0x5];
	[tilespmem:s0+$0xFFFFFFC0] =	vst v1;
	v0 =	vld [tilespmem:s9+$0xC560]  }
0x146: {  	s21 =	sld [smem:$0x6];
	v1 =	vld [tilespmem:s10+$0xC560];
	[tilespmem:s0+$0x40] =	vst v2  }
0x147: {  	s4 =	sld [smem:$0x4];
	v2 =	vld [tilespmem:s19+$0xC510]  }
0x148: {  	v4 =	vld [tilespmem:s18+$0xC510]  }
0x149: {  	[tilespmem:s0+$0xFFFFFF40] =	vst v3;
	v3 =	vld [tilespmem:s21+$0xC510]  }
0x14a: {  	v5 =	vld [tilespmem:s4+$0xC510];
	[tilespmem:s0+$0xD0] =	vst v0  }
0x14b: {  	s20 =	simm.s32 $0xE610;
	[tilespmem:s0+$0xFFFFFFD0] =	vst v1;
	v0 =	vld [tilespmem:s9+$0xC570]  }
0x14c: {  	v1 =	vld [tilespmem:s7+$0xC560];
	[tilespmem:s20+$0x80] =	vst v2  }
0x14d: {  	[tilespmem:s20+$0xFFFFFF80] =	vst v4;
	v2 =	vld [tilespmem:s19+$0xC520]  }
0x14e: {  	v4 =	vld [tilespmem:s18+$0xC520];
	[tilespmem:s20+$0x0] =	vst v3  }
0x14f: {  	[tilespmem:s20+$0xFFFFFF00] =	vst v5;
	v3 =	vld [tilespmem:s21+$0xC520]  }
0x150: {  	v5 =	vld [tilespmem:s4+$0xC520];
	[tilespmem:s0+$0xE0] =	vst v0  }
0x151: {  	[tilespmem:s0+$0xFFFFFF50] =	vst v1;
	v1 =	vld [tilespmem:s16+$0xC560]  }
0x152: {  	v0 =	vld [tilespmem:s9+$0xC580];
	[tilespmem:s20+$0x90] =	vst v2  }
0x153: {  	[tilespmem:s20+$0xFFFFFF90] =	vst v4;
	v2 =	vld [tilespmem:s19+$0xC530]  }
0x154: {  	v4 =	vld [tilespmem:s18+$0xC530];
	[tilespmem:s20+$0x10] =	vst v3  }
0x155: {  	[tilespmem:s20+$0xFFFFFF10] =	vst v5;
	v3 =	vld [tilespmem:s21+$0xC530]  }
0x156: {  	[tilespmem:s0+$0x50] =	vst v1;
	v5 =	vld [tilespmem:s4+$0xC530]  }
0x157: {  	v1 =	vld [tilespmem:s10+$0xC570];
	[tilespmem:s0+$0xF0] =	vst v0  }
0x158: {  	v0 =	vld [tilespmem:s7+$0xC570];
	[tilespmem:s20+$0xA0] =	vst v2  }
0x159: {  	[tilespmem:s20+$0xFFFFFFA0] =	vst v4;
	v2 =	vld [tilespmem:s19+$0xC540]  }
0x15a: {  	v4 =	vld [tilespmem:s18+$0xC540];
	[tilespmem:s20+$0x20] =	vst v3  }
0x15b: {  	[tilespmem:s20+$0xFFFFFF20] =	vst v5;
	v3 =	vld [tilespmem:s21+$0xC540]  }
0x15c: {  	[tilespmem:s0+$0xFFFFFFE0] =	vst v1;
	v5 =	vld [tilespmem:s4+$0xC540]  }
0x15d: {  	[tilespmem:s0+$0xFFFFFF60] =	vst v0;
	v0 =	vld [tilespmem:s16+$0xC570]  }
0x15e: {  	v6 =	vld [tilespmem:s7+$0xC580];
	[tilespmem:s20+$0xB0] =	vst v2  }
0x15f: {  	[tilespmem:s20+$0xFFFFFFB0] =	vst v4;
	v4 =	vld [tilespmem:s19+$0xC550]  }
0x160: {  	v2 =	vld [tilespmem:s18+$0xC550];
	[tilespmem:s20+$0x30] =	vst v3  }
0x161: {  	[tilespmem:s20+$0xFFFFFF30] =	vst v5;
	v1 =	vld [tilespmem:s21+$0xC550]  }
0x162: {  	[tilespmem:s0+$0x60] =	vst v0;
	v3 =	vld [tilespmem:s4+$0xC550]  }
0x163: {  	s9 =	simm.s32 $0xA;
	s7 =	simm.s32 $0x4;
	v0 =	vld [tilespmem:s10+$0xC580];
	[tilespmem:s0+$0xFFFFFF70] =	vst v6  }
.LBB2_9:
0x164: {  	s13 =	sld [smem:s9+$0x1];
	s7 =	sadd.s32 $0x4, s7;
	[tilespmem:s20+$0xC0] =	vst v4;
	v4 =	vld [tilespmem:s16+$0xC580];
	s16 =	smov.u32 s21  }
0x165: {  	s10 =	sld [smem:s9+$0xFFFFFFFF];
	p0 =	slt.u32 s7, $0xC4;
	[tilespmem:s20+$0xFFFFFFC0] =	vst v2;
	v2 =	vld [tilespmem:s19+$0xC560]  }
0x166: {  	s21 =	sld [smem:s9+$0x0];
	v5 =	vld [tilespmem:s18+$0xC560];
	[tilespmem:s20+$0x40] =	vst v1  }
0x167: {  	s12 =	sld [smem:s9+$0xFFFFFFFE];
	v1 =	vld [tilespmem:s13+$0xC510];
	[tilespmem:s20+$0xFFFFFF40] =	vst v3  }
0x168: {  	v3 =	vld [tilespmem:s10+$0xC510];
	[tilespmem:s0+$0xFFFFFFF0] =	vst v0  }
0x169: {  	v0 =	vld [tilespmem:s21+$0xC510];
	[tilespmem:s0+$0x70] =	vst v4;
	s0 =	smov.u32 s20  }
0x16a: {  	v4 =	vld [tilespmem:s12+$0xC510];
	[tilespmem:s20+$0xD0] =	vst v2  }
0x16b: {  	s20 =	sadd.s32 $0x200, s20;
	[tilespmem:s0+$0xFFFFFFD0] =	vst v5;
	v2 =	vld [tilespmem:s19+$0xC570]  }
0x16c: {  	[tilespmem:s20+$0x80] =	vst v1;
	v1 =	vld [tilespmem:s4+$0xC560]  }
0x16d: {  	[tilespmem:s20+$0xFFFFFF80] =	vst v3;
	v3 =	vld [tilespmem:s13+$0xC520]  }
0x16e: {  	v5 =	vld [tilespmem:s10+$0xC520];
	[tilespmem:s20+$0x0] =	vst v0  }
0x16f: {  	[tilespmem:s20+$0xFFFFFF00] =	vst v4;
	v0 =	vld [tilespmem:s21+$0xC520]  }
0x170: {  	v4 =	vld [tilespmem:s12+$0xC520];
	[tilespmem:s0+$0xE0] =	vst v2  }
0x171: {  	[tilespmem:s0+$0xFFFFFF50] =	vst v1;
	v1 =	vld [tilespmem:s19+$0xC580];
	s19 =	smov.u32 s13  }
0x172: {  	[tilespmem:s20+$0x90] =	vst v3;
	v2 =	vld [tilespmem:s16+$0xC560]  }
0x173: {  	[tilespmem:s20+$0xFFFFFF90] =	vst v5;
	v3 =	vld [tilespmem:s19+$0xC530]  }
0x174: {  	v5 =	vld [tilespmem:s10+$0xC530];
	[tilespmem:s20+$0x10] =	vst v0  }
0x175: {  	[tilespmem:s20+$0xFFFFFF10] =	vst v4;
	v0 =	vld [tilespmem:s21+$0xC530]  }
0x176: {  	v4 =	vld [tilespmem:s12+$0xC530];
	[tilespmem:s0+$0xF0] =	vst v1  }
0x177: {  	v1 =	vld [tilespmem:s4+$0xC570];
	[tilespmem:s0+$0x50] =	vst v2  }
0x178: {  	[tilespmem:s20+$0xA0] =	vst v3;
	v2 =	vld [tilespmem:s18+$0xC570]  }
0x179: {  	[tilespmem:s20+$0xFFFFFFA0] =	vst v5;
	v3 =	vld [tilespmem:s19+$0xC540]  }
0x17a: {  	v5 =	vld [tilespmem:s10+$0xC540];
	[tilespmem:s20+$0x20] =	vst v0  }
0x17b: {  	[tilespmem:s20+$0xFFFFFF20] =	vst v4;
	v0 =	vld [tilespmem:s21+$0xC540]  }
0x17c: {  	v6 =	vld [tilespmem:s12+$0xC540];
	[tilespmem:s0+$0xFFFFFF60] =	vst v1  }
0x17d: {  	[tilespmem:s0+$0xFFFFFFE0] =	vst v2;
	v7 =	vld [tilespmem:s16+$0xC570]  }
0x17e: {  	[tilespmem:s20+$0xB0] =	vst v3;
	v8 =	vld [tilespmem:s4+$0xC580];
	s4 =	smov.u32 s12  }
.Ltmp3:
0x17f: {  	[tilespmem:s20+$0xFFFFFFB0] =	vst v5;
	v4 =	vld [tilespmem:s19+$0xC550];
	(pc) =	sbr.rel @p0 .LBB2_9-.Ltmp3, $4  }
0x180: {  	v2 =	vld [tilespmem:s10+$0xC550];
	[tilespmem:s20+$0x30] =	vst v0  }
0x181: {  	[tilespmem:s20+$0xFFFFFF30] =	vst v6;
	v1 =	vld [tilespmem:s21+$0xC550]  }
0x182: {  	v3 =	vld [tilespmem:s4+$0xC550];
	[tilespmem:s0+$0x60] =	vst v7  }
0x183: {  	s9 =	sadd.s32 $0x4, s9;
	[tilespmem:s0+$0xFFFFFF70] =	vst v8;
	v0 =	vld [tilespmem:s18+$0xC580];
	s18 =	smov.u32 s10  }
0x184: {  	[tilespmem:s20+$0xC0] =	vst v4  }
0x185: {  	[tilespmem:s20+$0xFFFFFFC0] =	vst v2  }
0x186: {  	v4 =	vld [tilespmem:s19+$0xC560];
	[tilespmem:s20+$0x40] =	vst v1  }
0x187: {  	[tilespmem:s20+$0xFFFFFF40] =	vst v3;
	v3 =	vld [tilespmem:s18+$0xC560]  }
0x188: {  	v1 =	vld [tilespmem:s21+$0xC560]  }
0x189: {  	v2 =	vld [tilespmem:s4+$0xC560];
	_ =	sdelay $0x1  }
0x18a: {  	[tilespmem:s20+$0xD0] =	vst v4  }
0x18b: {  	v4 =	vld [tilespmem:s19+$0xC570];
	[tilespmem:s20+$0xFFFFFFD0] =	vst v3  }
0x18c: {  	[tilespmem:s20+$0x50] =	vst v1;
	v1 =	vld [tilespmem:s18+$0xC570]  }
0x18d: {  	[tilespmem:s20+$0xFFFFFF50] =	vst v2;
	v3 =	vld [tilespmem:s21+$0xC570]  }
0x18e: {  	v2 =	vld [tilespmem:s4+$0xC570];
	_ =	sdelay $0x1  }
0x18f: {  	[tilespmem:s20+$0xE0] =	vst v4  }
0x190: {  	v5 =	vld [tilespmem:s16+$0xC580];
	[tilespmem:s20+$0xFFFFFFE0] =	vst v1  }
0x191: {  	v4 =	vld [tilespmem:s19+$0xC580];
	[tilespmem:s20+$0x60] =	vst v3  }
0x192: {  	[tilespmem:s20+$0xFFFFFF60] =	vst v2;
	v2 =	vld [tilespmem:s18+$0xC580]  }
0x193: {  	[tilespmem:s0+$0xFFFFFFF0] =	vst v0;
	v0 =	vld [tilespmem:s21+$0xC580]  }
0x194: {  	v1 =	vld [tilespmem:s4+$0xC580]  }
0x195: {  	[tilespmem:s0+$0x70] =	vst v5;
	s21 =	smul.u32 $0xC800, s31  }
0x196: {  	[tilespmem:s20+$0xF0] =	vst v4  }
0x197: {  	s0 =	sadd.s32 s21, s14;
	[tilespmem:s20+$0xFFFFFFF0] =	vst v2  }
0x198: {  	s0 =	sshrl.u32 s0, $0x3;
	[tilespmem:s20+$0x70] =	vst v0  }
0x199: {  	s0 =	sadd.s32 s2, s0;
	[tilespmem:s20+$0xFFFFFF70] =	vst v1  }
0x19a: {  	[hbm4b:s0+s3] =	stream.linear.scatter [tilespmem:s24], [sflag:$0x3], $0x6400, $0x38;
	[tilespmem:$0x1AB10] =	vst v63  }
0x19b: {  	p0 =	seq.s32 s31, $0x17;
	_ =	swait.ge [sflag:s29], $0x6400  }
0x19c: {  	s0 =	smul.u32 @!p0 $0x640, s31;
	[sflag:s29] =	ssyncset.done $0x0  }
0x19d: {  	[sflag:s29] =	ssyncadd.s32 $0xFFFF9C00  }
0x19e: {  	s0 =	sshra.s32 @!p0 s0, $0x2;
	_ =	swait.ge [sflag:s25], $0xC8  }
0x19f: {  	s0 =	sadd.s32 @!p0 s0, s8;
	[sflag:s25] =	ssyncset.done $0x0  }
0x1a0: {  	s4 =	simm.s32 @!p0 $0x0;
	s0 =	sadd.s32 @!p0 $0x320, s0;
	[sflag:s25] =	ssyncadd.s32 $0xFFFFFF38  }
0x1a1: {  	[smem:s4], [sflag:$0x1] =	stream.linear.gather @!p0 [spmem:s0], $0xC8, $0x38;
	[tilespmem:$0x1AB10] =	vst v63  }
0x1a2: {  	s9 =	sld [smem:$0x103]  }
0x1a3: {  	s10 =	sld [smem:$0x101]  }
0x1a4: {  	s16 =	sld [smem:$0x102]  }
0x1a5: {  	s7 =	sld [smem:$0x100];
	v0 =	vld [tilespmem:s9+$0xC510]  }
0x1a6: {  	v1 =	vld [tilespmem:s10+$0xC510]  }
0x1a7: {  	v2 =	vld [tilespmem:s16+$0xC510];
	_ =	sdelay $0x1  }
0x1a8: {  	s0 =	simm.s32 $0x14810  }
0x1a9: {  	v3 =	vld [tilespmem:s7+$0xC510];
	[tilespmem:s0+$0x80] =	vst v0  }
0x1aa: {  	[tilespmem:s0+$0xFFFFFF80] =	vst v1;
	v0 =	vld [tilespmem:s9+$0xC520]  }
0x1ab: {  	v1 =	vld [tilespmem:s10+$0xC520];
	[tilespmem:s0+$0x0] =	vst v2  }
0x1ac: {  	v2 =	vld [tilespmem:s16+$0xC520];
	_ =	sdelay $0x1  }
0x1ad: {  	[tilespmem:s0+$0xFFFFFF00] =	vst v3  }
0x1ae: {  	v3 =	vld [tilespmem:s7+$0xC520];
	[tilespmem:s0+$0x90] =	vst v0  }
0x1af: {  	[tilespmem:s0+$0xFFFFFF90] =	vst v1;
	v0 =	vld [tilespmem:s9+$0xC530]  }
0x1b0: {  	v1 =	vld [tilespmem:s10+$0xC530];
	[tilespmem:s0+$0x10] =	vst v2  }
0x1b1: {  	v2 =	vld [tilespmem:s16+$0xC530];
	_ =	sdelay $0x1  }
0x1b2: {  	[tilespmem:s0+$0xFFFFFF10] =	vst v3  }
0x1b3: {  	v3 =	vld [tilespmem:s7+$0xC530];
	[tilespmem:s0+$0xA0] =	vst v0  }
0x1b4: {  	[tilespmem:s0+$0xFFFFFFA0] =	vst v1;
	v0 =	vld [tilespmem:s9+$0xC540]  }
0x1b5: {  	v1 =	vld [tilespmem:s10+$0xC540];
	[tilespmem:s0+$0x20] =	vst v2  }
0x1b6: {  	v2 =	vld [tilespmem:s16+$0xC540];
	_ =	sdelay $0x1  }
0x1b7: {  	[tilespmem:s0+$0xFFFFFF20] =	vst v3  }
0x1b8: {  	v3 =	vld [tilespmem:s7+$0xC540];
	[tilespmem:s0+$0xB0] =	vst v0  }
0x1b9: {  	[tilespmem:s0+$0xFFFFFFB0] =	vst v1;
	v0 =	vld [tilespmem:s9+$0xC550]  }
0x1ba: {  	v1 =	vld [tilespmem:s10+$0xC550];
	[tilespmem:s0+$0x30] =	vst v2  }
0x1bb: {  	v2 =	vld [tilespmem:s16+$0xC550];
	_ =	sdelay $0x1  }
0x1bc: {  	[tilespmem:s0+$0xFFFFFF30] =	vst v3  }
0x1bd: {  	v3 =	vld [tilespmem:s7+$0xC550];
	s19 =	sld [smem:$0x107];
	[tilespmem:s0+$0xC0] =	vst v0  }
0x1be: {  	s18 =	sld [smem:$0x105];
	[tilespmem:s0+$0xFFFFFFC0] =	vst v1;
	v0 =	vld [tilespmem:s9+$0xC560]  }
0x1bf: {  	s21 =	sld [smem:$0x106];
	v1 =	vld [tilespmem:s10+$0xC560];
	[tilespmem:s0+$0x40] =	vst v2  }
0x1c0: {  	s4 =	sld [smem:$0x104];
	v2 =	vld [tilespmem:s19+$0xC510]  }
0x1c1: {  	v4 =	vld [tilespmem:s18+$0xC510]  }
0x1c2: {  	[tilespmem:s0+$0xFFFFFF40] =	vst v3;
	v3 =	vld [tilespmem:s21+$0xC510]  }
0x1c3: {  	v5 =	vld [tilespmem:s4+$0xC510];
	[tilespmem:s0+$0xD0] =	vst v0  }
0x1c4: {  	s20 =	simm.s32 $0x14A10;
	[tilespmem:s0+$0xFFFFFFD0] =	vst v1;
	v0 =	vld [tilespmem:s9+$0xC570]  }
0x1c5: {  	v1 =	vld [tilespmem:s7+$0xC560];
	[tilespmem:s20+$0x80] =	vst v2  }
0x1c6: {  	[tilespmem:s20+$0xFFFFFF80] =	vst v4;
	v2 =	vld [tilespmem:s19+$0xC520]  }
0x1c7: {  	v4 =	vld [tilespmem:s18+$0xC520];
	[tilespmem:s20+$0x0] =	vst v3  }
0x1c8: {  	[tilespmem:s20+$0xFFFFFF00] =	vst v5;
	v3 =	vld [tilespmem:s21+$0xC520]  }
0x1c9: {  	v5 =	vld [tilespmem:s4+$0xC520];
	[tilespmem:s0+$0xE0] =	vst v0  }
0x1ca: {  	[tilespmem:s0+$0xFFFFFF50] =	vst v1;
	v1 =	vld [tilespmem:s16+$0xC560]  }
0x1cb: {  	v0 =	vld [tilespmem:s9+$0xC580];
	[tilespmem:s20+$0x90] =	vst v2  }
0x1cc: {  	[tilespmem:s20+$0xFFFFFF90] =	vst v4;
	v2 =	vld [tilespmem:s19+$0xC530]  }
0x1cd: {  	v4 =	vld [tilespmem:s18+$0xC530];
	[tilespmem:s20+$0x10] =	vst v3  }
0x1ce: {  	[tilespmem:s20+$0xFFFFFF10] =	vst v5;
	v3 =	vld [tilespmem:s21+$0xC530]  }
0x1cf: {  	[tilespmem:s0+$0x50] =	vst v1;
	v5 =	vld [tilespmem:s4+$0xC530]  }
0x1d0: {  	v1 =	vld [tilespmem:s10+$0xC570];
	[tilespmem:s0+$0xF0] =	vst v0  }
0x1d1: {  	v0 =	vld [tilespmem:s7+$0xC570];
	[tilespmem:s20+$0xA0] =	vst v2  }
0x1d2: {  	[tilespmem:s20+$0xFFFFFFA0] =	vst v4;
	v2 =	vld [tilespmem:s19+$0xC540]  }
0x1d3: {  	v4 =	vld [tilespmem:s18+$0xC540];
	[tilespmem:s20+$0x20] =	vst v3  }
0x1d4: {  	[tilespmem:s20+$0xFFFFFF20] =	vst v5;
	v3 =	vld [tilespmem:s21+$0xC540]  }
0x1d5: {  	[tilespmem:s0+$0xFFFFFFE0] =	vst v1;
	v5 =	vld [tilespmem:s4+$0xC540]  }
0x1d6: {  	[tilespmem:s0+$0xFFFFFF60] =	vst v0;
	v0 =	vld [tilespmem:s16+$0xC570]  }
0x1d7: {  	v6 =	vld [tilespmem:s7+$0xC580];
	[tilespmem:s20+$0xB0] =	vst v2  }
0x1d8: {  	[tilespmem:s20+$0xFFFFFFB0] =	vst v4;
	v4 =	vld [tilespmem:s19+$0xC550]  }
0x1d9: {  	v2 =	vld [tilespmem:s18+$0xC550];
	[tilespmem:s20+$0x30] =	vst v3  }
0x1da: {  	[tilespmem:s20+$0xFFFFFF30] =	vst v5;
	v1 =	vld [tilespmem:s21+$0xC550]  }
0x1db: {  	[tilespmem:s0+$0x60] =	vst v0;
	v3 =	vld [tilespmem:s4+$0xC550]  }
0x1dc: {  	s9 =	simm.s32 $0x10A;
	s7 =	simm.s32 $0x4;
	v0 =	vld [tilespmem:s10+$0xC580];
	[tilespmem:s0+$0xFFFFFF70] =	vst v6  }
.LBB2_11:
0x1dd: {  	s13 =	sld [smem:s9+$0x1];
	s7 =	sadd.s32 $0x4, s7;
	[tilespmem:s20+$0xC0] =	vst v4;
	v4 =	vld [tilespmem:s16+$0xC580];
	s16 =	smov.u32 s21  }
0x1de: {  	s10 =	sld [smem:s9+$0xFFFFFFFF];
	p0 =	slt.u32 s7, $0xC4;
	[tilespmem:s20+$0xFFFFFFC0] =	vst v2;
	v2 =	vld [tilespmem:s19+$0xC560]  }
0x1df: {  	s21 =	sld [smem:s9+$0x0];
	v5 =	vld [tilespmem:s18+$0xC560];
	[tilespmem:s20+$0x40] =	vst v1  }
0x1e0: {  	s12 =	sld [smem:s9+$0xFFFFFFFE];
	v1 =	vld [tilespmem:s13+$0xC510];
	[tilespmem:s20+$0xFFFFFF40] =	vst v3  }
0x1e1: {  	v3 =	vld [tilespmem:s10+$0xC510];
	[tilespmem:s0+$0xFFFFFFF0] =	vst v0  }
0x1e2: {  	v0 =	vld [tilespmem:s21+$0xC510];
	[tilespmem:s0+$0x70] =	vst v4;
	s0 =	smov.u32 s20  }
0x1e3: {  	v4 =	vld [tilespmem:s12+$0xC510];
	[tilespmem:s20+$0xD0] =	vst v2  }
0x1e4: {  	s20 =	sadd.s32 $0x200, s20;
	[tilespmem:s0+$0xFFFFFFD0] =	vst v5;
	v2 =	vld [tilespmem:s19+$0xC570]  }
0x1e5: {  	[tilespmem:s20+$0x80] =	vst v1;
	v1 =	vld [tilespmem:s4+$0xC560]  }
0x1e6: {  	[tilespmem:s20+$0xFFFFFF80] =	vst v3;
	v3 =	vld [tilespmem:s13+$0xC520]  }
0x1e7: {  	v5 =	vld [tilespmem:s10+$0xC520];
	[tilespmem:s20+$0x0] =	vst v0  }
0x1e8: {  	[tilespmem:s20+$0xFFFFFF00] =	vst v4;
	v0 =	vld [tilespmem:s21+$0xC520]  }
0x1e9: {  	v4 =	vld [tilespmem:s12+$0xC520];
	[tilespmem:s0+$0xE0] =	vst v2  }
0x1ea: {  	[tilespmem:s0+$0xFFFFFF50] =	vst v1;
	v1 =	vld [tilespmem:s19+$0xC580];
	s19 =	smov.u32 s13  }
0x1eb: {  	[tilespmem:s20+$0x90] =	vst v3;
	v2 =	vld [tilespmem:s16+$0xC560]  }
0x1ec: {  	[tilespmem:s20+$0xFFFFFF90] =	vst v5;
	v3 =	vld [tilespmem:s19+$0xC530]  }
0x1ed: {  	v5 =	vld [tilespmem:s10+$0xC530];
	[tilespmem:s20+$0x10] =	vst v0  }
0x1ee: {  	[tilespmem:s20+$0xFFFFFF10] =	vst v4;
	v0 =	vld [tilespmem:s21+$0xC530]  }
0x1ef: {  	v4 =	vld [tilespmem:s12+$0xC530];
	[tilespmem:s0+$0xF0] =	vst v1  }
0x1f0: {  	v1 =	vld [tilespmem:s4+$0xC570];
	[tilespmem:s0+$0x50] =	vst v2  }
0x1f1: {  	[tilespmem:s20+$0xA0] =	vst v3;
	v2 =	vld [tilespmem:s18+$0xC570]  }
0x1f2: {  	[tilespmem:s20+$0xFFFFFFA0] =	vst v5;
	v3 =	vld [tilespmem:s19+$0xC540]  }
0x1f3: {  	v5 =	vld [tilespmem:s10+$0xC540];
	[tilespmem:s20+$0x20] =	vst v0  }
0x1f4: {  	[tilespmem:s20+$0xFFFFFF20] =	vst v4;
	v0 =	vld [tilespmem:s21+$0xC540]  }
0x1f5: {  	v6 =	vld [tilespmem:s12+$0xC540];
	[tilespmem:s0+$0xFFFFFF60] =	vst v1  }
0x1f6: {  	[tilespmem:s0+$0xFFFFFFE0] =	vst v2;
	v7 =	vld [tilespmem:s16+$0xC570]  }
0x1f7: {  	[tilespmem:s20+$0xB0] =	vst v3;
	v8 =	vld [tilespmem:s4+$0xC580];
	s4 =	smov.u32 s12  }
.Ltmp4:
0x1f8: {  	[tilespmem:s20+$0xFFFFFFB0] =	vst v5;
	v4 =	vld [tilespmem:s19+$0xC550];
	(pc) =	sbr.rel @p0 .LBB2_11-.Ltmp4, $4  }
0x1f9: {  	v2 =	vld [tilespmem:s10+$0xC550];
	[tilespmem:s20+$0x30] =	vst v0  }
0x1fa: {  	[tilespmem:s20+$0xFFFFFF30] =	vst v6;
	v1 =	vld [tilespmem:s21+$0xC550]  }
0x1fb: {  	v3 =	vld [tilespmem:s4+$0xC550];
	[tilespmem:s0+$0x60] =	vst v7  }
0x1fc: {  	s9 =	sadd.s32 $0x4, s9;
	[tilespmem:s0+$0xFFFFFF70] =	vst v8;
	v0 =	vld [tilespmem:s18+$0xC580];
	s18 =	smov.u32 s10  }
0x1fd: {  	[tilespmem:s20+$0xC0] =	vst v4  }
0x1fe: {  	v4 =	vld [tilespmem:s19+$0xC560];
	[tilespmem:s20+$0xFFFFFFC0] =	vst v2  }
0x1ff: {  	v58 =	vld [tilespmem:s18+$0xC560];
	[tilespmem:s20+$0x40] =	vst v1  }
0x200: {  	[tilespmem:s20+$0xFFFFFF40] =	vst v3;
	v1 =	vld [tilespmem:s21+$0xC560]  }
0x201: {  	v57 =	vld [tilespmem:s4+$0xC560];
	_ =	sdelay $0x1  }
0x202: {  	[tilespmem:s20+$0xD0] =	vst v4  }
0x203: {  	v4 =	vld [tilespmem:s19+$0xC570];
	[tilespmem:s20+$0xFFFFFFD0] =	vst v58  }
0x204: {  	[tilespmem:s20+$0x50] =	vst v1;
	v59 =	vld [tilespmem:s18+$0xC570]  }
0x205: {  	[tilespmem:s20+$0xFFFFFF50] =	vst v57;
	v60 =	vld [tilespmem:s21+$0xC570]  }
0x206: {  	v2 =	vld [tilespmem:s4+$0xC570];
	_ =	sdelay $0x1  }
0x207: {  	v5 =	vld [tilespmem:s16+$0xC580];
	[tilespmem:s20+$0xE0] =	vst v4  }
0x208: {  	v4 =	vld [tilespmem:s19+$0xC580];
	[tilespmem:s20+$0xFFFFFFE0] =	vst v59  }
0x209: {  	[tilespmem:s20+$0x60] =	vst v60;
	v62 =	vld [tilespmem:s18+$0xC580]  }
0x20a: {  	[tilespmem:s20+$0xFFFFFF60] =	vst v2;
	v63 =	vld [tilespmem:s21+$0xC580]  }
0x20b: {  	s31 =	sadd.s32 $0x1, s31;
	[tilespmem:s0+$0xFFFFFFF0] =	vst v0;
	v61 =	vld [tilespmem:s4+$0xC580]  }
0x20c: {  	p0 =	sne.s32 s31, $0x18;
	[tilespmem:s0+$0x70] =	vst v5;
	s21 =	smul.u32 $0x6400, s1  }
.Ltmp5:
0x20d: {  	[tilespmem:s20+$0xF0] =	vst v4;
	(pc) =	sbr.rel @p0 .LBB2_8-.Ltmp5, $4  }
0x20e: {  	s0 =	sadd.s32 s5, s21;
	[tilespmem:s20+$0xFFFFFFF0] =	vst v62  }
0x20f: {  	s0 =	sshrl.u32 s0, $0x3;
	[tilespmem:s20+$0x70] =	vst v63  }
0x210: {  	s0 =	sadd.s32 s2, s0;
	[tilespmem:s20+$0xFFFFFF70] =	vst v61  }
0x211: {  	[hbm4b:s0+s3] =	stream.linear.scatter [tilespmem:s26], [sflag:$0x4], $0x6400, $0x38;
	[tilespmem:$0x1AB10] =	vst v63  }
0x212: {  	s30 =	sadd.s32 $0x1, s30  }
0x213: {  	_ =	swait.ge [sflag:s28], $0x6400;
	p0 =	sne.s32 s30, s15  }
.Ltmp6:
0x214: {  	[sflag:s28] =	ssyncset.done $0x0;
	(pc) =	sbr.rel @p0 .LBB2_1-.Ltmp6, $4  }
0x215: {  	[sflag:s28] =	ssyncadd.s32 $0xFFFF9C00  }
0x216: {  	_ =	swait.ge [sflag:s29], $0x6400  }
0x217: {  	[sflag:s29] =	ssyncset.done $0x0  }
0x218: {  	[sflag:s29] =	ssyncadd.s32 $0xFFFF9C00  }
0x219: {  	_ =	sfence.sel $0x180000  }
0x21a: {  	[bflag:$0x0] =	sbarrier.arrive $0xFFFF  }
0x21b: {  	_ =	strace $0x90000047  }
0x21c: {  	s0 =	stileid.u32;
	[bflag:$0x2] =	sbarrier.arrive $0xFFFF  }
0x21d: {  	p0 =	sne.s32 s0, $0x0;
	s0 =	rddreg [dreg:$0x3]  }
0x21e: {  	s0 =	sadd.s32 @!p0 $0x100000, s0  }
0x21f: {  	[sflag:s0] =	ssyncadd.tile.s32 @!p0 $0x1;
	_ =	shalt  }
.Lfunc_end2:
_tile_overlayer_lowered:
.L_overlay_start_2:
0x220: {  	(tag) =	ssettag $0x2  }
0x221: {  	s0 =	rddreg [dreg:$0x0];
	s2 =	stileid.u32  }
0x222: {  	s1 =	rddreg [dreg:$0x1];
	p0 =	sne.s32 s2, $0x0  }
0x223: {  	s3 =	rddreg [dreg:$0x2];
	[bflag:$0x3] =	sbarrier.arrive $0xFFFF;
	s2 =	simm.s32 @!p0 $0x1C05  }
0x224: {  	[timem:s3], [sflag:s2] =	dma.local @!p0 [hbm:s0], s1  }
0x225: {  	s0 =	simm.s32 @!p0 $0x5  }
0x226: {  	_ =	swait.ge @!p0 [sflag:s0], s1  }
0x227: {  	s1 =	ssub.s32 @!p0 $0x0, s1;
	[sflag:s0] =	ssyncset.done @!p0 $0x0  }
0x228: {  	[sflag:s0] =	ssyncadd.s32 @!p0 s1  }
0x229: {  	[bflag:$0x3] =	sbarrier.arrive $0xFFFF  }
0x22a: {  	_ =	shalt  }

</sc_bundles>
